<compile_context>
chip_gen: v7x
topology: tpu7x:2x2x1
jax: 0.10.2.dev20260603
libtpu: 0.0.44.dev20260713+nightly
codegen_flags: <defaults>
</compile_context>

<pallas_src>
import functools

import jax
import jax.numpy as jnp
from jax import lax
from jax.experimental import pallas as pl
from jax.experimental.pallas import tpu as pltpu
from jax.experimental.pallas import tpu_sc as plsc

_N = 10000
_E = 320000
_F = 128
_C = 64

_NC = 2
_NS = 16
_NW = _NC * _NS
_CHUNK = 128
_CPW = 80
_IBLK = 8
_EPAD = _NW * _CPW * _CHUNK
_ACC = 10112
_RPT = _ACC // _NS

_mesh = plsc.VectorSubcoreMesh(core_axis_name="c", subcore_axis_name="s")



_NCHUNK = _EPAD // _CHUNK
_CPT = _NCHUNK // _NS


def _sc_degree_body(idx_hbm, ones_hbm, zeros_hbm, deg_hbm,
                    idx_v, ones_v, acc):
    cid = lax.axis_index("c")
    sid = lax.axis_index("s")
    rows = pl.ds(sid * _RPT, _RPT)
    pltpu.sync_copy(zeros_hbm, acc.at[rows])
    pltpu.sync_copy(ones_hbm, ones_v)
    pltpu.sync_copy(idx_hbm.at[cid, sid], idx_v)
    plsc.subcore_barrier()

    def body(j, carry):
        pltpu.sync_copy(ones_v, acc.at[idx_v.at[j]], add=True)
        return carry

    lax.fori_loop(0, _CPT, body, 0)
    plsc.subcore_barrier()
    pltpu.sync_copy(acc.at[rows], deg_hbm.at[cid, rows])


_sc_degree = pl.kernel(
    _sc_degree_body,
    out_type=jax.ShapeDtypeStruct((_NC, _ACC, _F), jnp.float32),
    mesh=_mesh,
    scratch_types=[
        pltpu.VMEM((_CPT, _CHUNK), jnp.int32),
        pltpu.VMEM((_CHUNK, _F), jnp.float32),
        pltpu.VMEM_SHARED((_ACC, _F), jnp.float32),
    ],
)


def _sc_msg_body(feat, h_hbm, src_hbm, dst_hbm, zeros_hbm, out_hbm,
                 src_v, dst_v, msg_v, sem, acc):
    cid = lax.axis_index("c")
    sid = lax.axis_index("s")
    w = cid * _NS + sid
    rows = pl.ds(sid * _RPT, _RPT)
    pltpu.sync_copy(zeros_hbm, acc.at[rows])
    pltpu.sync_copy(src_hbm.at[w], src_v)
    pltpu.sync_copy(dst_hbm.at[w, 0], dst_v.at[0])
    plsc.subcore_barrier()
    pltpu.async_copy(h_hbm.at[src_v.at[0]], msg_v.at[0], sem)

    def step(j, prefetch):
        if prefetch:
            nxt = j + 1
            nb = nxt // _IBLK

            @pl.when(nxt % _IBLK == 0)
            def _():
                pltpu.sync_copy(dst_hbm.at[w, nb], dst_v.at[nb % 2])

            pltpu.async_copy(h_hbm.at[src_v.at[nxt]], msg_v.at[nxt % 2], sem)
        pltpu.make_async_copy(h_hbm.at[src_v.at[0]], msg_v.at[j % 2],
                              sem).wait()
        pltpu.sync_copy(msg_v.at[j % 2],
                        acc.at[dst_v.at[(j // _IBLK) % 2, j % _IBLK]],
                        add=True)

    def body(j, carry):
        step(j, True)
        return carry

    lax.fori_loop(0, _CPW - 1, body, 0)
    step(_CPW - 1, False)
    plsc.subcore_barrier()
    pltpu.sync_copy(acc.at[rows], out_hbm.at[cid, rows])


def _make_sc_msg(feat):
    return pl.kernel(
        functools.partial(_sc_msg_body, feat),
        out_type=jax.ShapeDtypeStruct((_NC, _ACC, feat), jnp.float32),
        mesh=_mesh,
        scratch_types=[
            pltpu.VMEM((_CPW, _CHUNK), jnp.int32),
            pltpu.VMEM((2, _IBLK, _CHUNK), jnp.int32),
            pltpu.VMEM((2, _CHUNK, feat), jnp.float32),
            pltpu.SemaphoreType.DMA,
            pltpu.VMEM_SHARED((_ACC, feat), jnp.float32),
        ],
    )


_sc_msg_h = _make_sc_msg(_F)



_BLK = 2000


def _tc1_body(dout, din, x, w1, h1, no16, ni16):
    no = lax.rsqrt(jnp.maximum(dout[0, :, :16].astype(jnp.float32), 1.0))
    ni = lax.rsqrt(jnp.maximum(din[0, :, :16].astype(jnp.float32), 1.0))
    no16[...] = no
    ni16[...] = ni
    h = jnp.dot(x[...], w1[...], preferred_element_type=jnp.float32,
                precision=lax.Precision.HIGHEST)
    h1[...] = h * no[:, 0:1]


def _tc_layer1(deg, x, w1):
    spec16 = pl.BlockSpec((_BLK, 16), lambda i: (i, 0))
    specF = pl.BlockSpec((_BLK, _F), lambda i: (i, 0))
    return pl.pallas_call(
        _tc1_body,
        grid=(_N // _BLK,),
        in_specs=[
            pl.BlockSpec((1, _BLK, _F), lambda i: (0, i, 0)),
            pl.BlockSpec((1, _BLK, _F), lambda i: (1, i, 0)),
            specF,
            pl.BlockSpec((_F, _F), lambda i: (0, 0)),
        ],
        out_specs=[specF, spec16, spec16],
        out_shape=[
            jax.ShapeDtypeStruct((_N, _F), jnp.float32),
            jax.ShapeDtypeStruct((_N, 16), jnp.float32),
            jax.ShapeDtypeStruct((_N, 16), jnp.float32),
        ],
    )(deg, deg, x, w1)


def _tc2_body(a0, a1, ni16, b1, w2, no16, h2):
    agg = (a0[0] + a1[0]) * ni16[..., 0:1] + b1[...]
    h = jnp.maximum(agg, 0.0)
    h = jnp.dot(h, w2[...], preferred_element_type=jnp.float32,
                precision=lax.Precision.HIGHEST)
    h = h * no16[..., 0:1]
    h2[...] = jnp.concatenate([h, jnp.zeros_like(h)], axis=1)


def _tc_layer2(a0, a1, ni16, b1, w2, no16):
    spec16 = pl.BlockSpec((_BLK, 16), lambda i: (i, 0))
    return pl.pallas_call(
        _tc2_body,
        grid=(_N // _BLK,),
        in_specs=[
            pl.BlockSpec((1, _BLK, _F), lambda i: (0, i, 0)),
            pl.BlockSpec((1, _BLK, _F), lambda i: (1, i, 0)),
            spec16,
            pl.BlockSpec((1, _F), lambda i: (0, 0)),
            pl.BlockSpec((_F, _C), lambda i: (0, 0)),
            spec16,
        ],
        out_specs=pl.BlockSpec((_BLK, 2 * _C), lambda i: (i, 0)),
        out_shape=jax.ShapeDtypeStruct((_N, 2 * _C), jnp.float32),
    )(a0, a1, ni16, b1, w2, no16)


def _tc3_body(p0, p1, ni16, b2, out):
    agg = p0[0, :, :_C] + p1[0, :, :_C]
    out[...] = agg * ni16[..., 0:1] + b2[...]


def _tc_final(p0, p1, ni16, b2):
    spec16 = pl.BlockSpec((_BLK, 16), lambda i: (i, 0))
    return pl.pallas_call(
        _tc3_body,
        grid=(_N // _BLK,),
        in_specs=[
            pl.BlockSpec((1, _BLK, _F), lambda i: (0, i, 0)),
            pl.BlockSpec((1, _BLK, _F), lambda i: (1, i, 0)),
            spec16,
            pl.BlockSpec((1, _C), lambda i: (0, 0)),
        ],
        out_specs=pl.BlockSpec((_BLK, _C), lambda i: (i, 0)),
        out_shape=jax.ShapeDtypeStruct((_N, _C), jnp.float32),
    )(p0, p1, ni16, b2)



def kernel(in_feat, edge_index, W1, b1, W2, b2):
    src = edge_index[0].astype(jnp.int32)
    dst = edge_index[1].astype(jnp.int32)
    npad = _EPAD - _E
    shape3 = (_NW, _CPW, _CHUNK)
    iota_pad = lax.iota(jnp.int32, npad)
    pad_real = iota_pad % _N
    pad_dummy = _N + iota_pad % (_ACC - _N)
    src_g = jnp.concatenate([src, pad_real]).reshape(shape3)
    src_d = jnp.concatenate([src, pad_dummy])
    dst_p3 = jnp.concatenate([dst, pad_dummy])

    ones_h = jnp.ones((_CHUNK, _F), jnp.float32)
    zeros_f = jnp.zeros((_RPT, _F), jnp.float32)
    idx2 = jnp.stack([src_d.reshape(_NS, _CPT, _CHUNK),
                      dst_p3.reshape(_NS, _CPT, _CHUNK)])
    dst_p = dst_p3.reshape(_NW, _CPW // _IBLK, _IBLK, _CHUNK)

    deg = _sc_degree(idx2, ones_h, zeros_f)
    h1, no16, ni16 = _tc_layer1(deg, in_feat, W1)
    agg_p = _sc_msg_h(h1, src_g, dst_p, zeros_f)
    h2 = _tc_layer2(agg_p, agg_p, ni16, b1.reshape(1, _F), W2, no16)
    out_p = _sc_msg_h(h2, src_g, dst_p, zeros_f)
    return _tc_final(out_p, out_p, ni16, b2.reshape(1, _C))

# --- scband reference (transcript-rebuilt; emitter-appended) ---
"""Pipeline reference for scband-graph-convolutional-network-4509715661024 (READ-ONLY COPY).

The authoritative reference and input builder live on the scoring server;
editing this copy changes nothing except your own understanding.
"""

import jax, jax.numpy as jnp
import numpy as np

N_NODES = 10000
N_EDGES = 320000
IN_FEATS = 128
H_FEATS = 128
NUM_CLASSES = 64


def setup_inputs(seed: int = 0) -> dict:
    key = jax.random.key(seed)
    k1, k2, k3, k4, k5, k6 = jax.random.split(key, 6)
    in_feat = jax.random.normal(k1, (N_NODES, IN_FEATS), dtype=jnp.float32)
    edge_index = jax.random.randint(k2, (2, N_EDGES), 0, N_NODES, dtype=jnp.int64)
    # GraphConv layer 1 params (DGL default: Glorot init weight, zero bias)
    W1 = jax.random.normal(k3, (IN_FEATS, H_FEATS), dtype=jnp.float32) * (1.0 / np.sqrt(IN_FEATS))
    b1 = jnp.zeros((H_FEATS,), dtype=jnp.float32)
    W2 = jax.random.normal(k4, (H_FEATS, NUM_CLASSES), dtype=jnp.float32) * (1.0 / np.sqrt(H_FEATS))
    b2 = jnp.zeros((NUM_CLASSES,), dtype=jnp.float32)
    return {"in_feat": in_feat, "edge_index": edge_index, "W1": W1, "b1": b1, "W2": W2, "b2": b2}


def _degree_norms(edge_index, n_nodes):
    src = edge_index[0]
    dst = edge_index[1]
    ones = jnp.ones((edge_index.shape[1],), dtype=jnp.float32)
    deg_out = jax.ops.segment_sum(ones, src, num_segments=n_nodes)
    deg_in = jax.ops.segment_sum(ones, dst, num_segments=n_nodes)
    # DGL clamps degree to >= 1 to avoid div by zero
    norm_out = jnp.power(jnp.clip(deg_out, 1.0, None), -0.5)
    norm_in = jnp.power(jnp.clip(deg_in, 1.0, None), -0.5)
    return norm_out, norm_in


def _graph_conv(x, edge_index, W, b, norm_out, norm_in, n_nodes):
    # DGL GraphConv, norm='both': D_in^{-1/2} A D_out^{-1/2} X W + b
    h = x @ W
    h = h * norm_out[:, None]
    src = edge_index[0]
    dst = edge_index[1]
    msgs = jnp.take(h, src, axis=0)
    agg = jax.ops.segment_sum(msgs, dst, num_segments=n_nodes)
    agg = agg * norm_in[:, None]
    return agg + b


def reference(in_feat, edge_index, W1, b1, W2, b2):
    norm_out, norm_in = _degree_norms(edge_index, N_NODES)
    h = _graph_conv(in_feat, edge_index, W1, b1, norm_out, norm_in, N_NODES)
    h = jax.nn.relu(h)
    h = _graph_conv(h, edge_index, W2, b2, norm_out, norm_in, N_NODES)
    return h

if __name__ == "__main__":
    import jax
    _d = setup_inputs()
    print(jax.jit(kernel)(*tuple(_d.values())))

</pallas_src>

<mosaic_0001>
#map = affine_map<(d0, d1) -> (0, 0, 0, 0)>
#map1 = affine_map<(d0, d1) -> (0, 0)>
#map2 = affine_map<(d0, d1) -> (0, 0, 0)>
module attributes {stable_mosaic.version = 14 : i64} {
  func.func @_sc_degree_body(%arg0: i32, %arg1: i32, %arg2: memref<2x16x160x128xi32, #tpu.memory_space<hbm>>, %arg3: memref<128x128xf32, #tpu.memory_space<hbm>>, %arg4: memref<632x128xf32, #tpu.memory_space<hbm>>, %arg5: memref<2x10112x128xf32, #tpu.memory_space<hbm>>, %arg6: memref<160x128xi32, #tpu.memory_space<vmem>>, %arg7: memref<128x128xf32, #tpu.memory_space<vmem>>, %arg8: memref<10112x128xf32, #tpu.memory_space<vmem_shared>>) attributes {dimension_semantics = [#tpu.dimension_semantics<core_parallel>, #tpu.dimension_semantics<subcore_parallel>], iteration_bounds = array<i64: 2, 16>, scalar_prefetch = 0 : i64, scratch_operands = 3 : i64, tpu.core_type = #tpu.core_type<sc_vector_subcore>, window_params = [{transform_indices = #map}, {transform_indices = #map1}, {transform_indices = #map1}, {transform_indices = #map2}]} {
    %mul3A = arith.constant 632 : i32
    %mul3A_0 = arith.muli %arg1, %mul3A : i32
    "tpu.region"() ({
      %run_scoped3A = tpu.sem_alloc : memref<!tpu.dma_semaphore, #tpu.memory_space<semaphore_mem>>
      %dma_start3A = arith.constant 0 : i32
      %dma_start3A_7 = tpu.memref_slice %arg8[%mul3A_0, %dma_start3A] : memref<10112x128xf32, #tpu.memory_space<vmem_shared>> -> memref<632x128xf32, #tpu.memory_space<vmem_shared>>
      tpu.enqueue_dma source(%arg4 : memref<632x128xf32, #tpu.memory_space<hbm>>) target(%dma_start3A_7 : memref<632x128xf32, #tpu.memory_space<vmem_shared>>) target_semaphore(%run_scoped3A : memref<!tpu.dma_semaphore, #tpu.memory_space<semaphore_mem>>)
      %dma_wait3A = arith.constant 0 : i32
      %dma_wait3A_8 = tpu.memref_slice %arg8[%mul3A_0, %dma_wait3A] : memref<10112x128xf32, #tpu.memory_space<vmem_shared>> -> memref<632x128xf32, #tpu.memory_space<vmem_shared>>
      tpu.wait_dma2 semaphore(%run_scoped3A : memref<!tpu.dma_semaphore, #tpu.memory_space<semaphore_mem>>) src(%arg4 : memref<632x128xf32, #tpu.memory_space<hbm>>) dst(%dma_wait3A_8 : memref<632x128xf32, #tpu.memory_space<vmem_shared>>)
      tpu.yield
    }) : () -> ()
    "tpu.region"() ({
      %run_scoped3A = tpu.sem_alloc : memref<!tpu.dma_semaphore, #tpu.memory_space<semaphore_mem>>
      tpu.enqueue_dma source(%arg3 : memref<128x128xf32, #tpu.memory_space<hbm>>) target(%arg7 : memref<128x128xf32, #tpu.memory_space<vmem>>) target_semaphore(%run_scoped3A : memref<!tpu.dma_semaphore, #tpu.memory_space<semaphore_mem>>)
      tpu.wait_dma2 semaphore(%run_scoped3A : memref<!tpu.dma_semaphore, #tpu.memory_space<semaphore_mem>>) src(%arg3 : memref<128x128xf32, #tpu.memory_space<hbm>>) dst(%arg7 : memref<128x128xf32, #tpu.memory_space<vmem>>)
      tpu.yield
    }) : () -> ()
    "tpu.region"() ({
      %run_scoped3A = tpu.sem_alloc : memref<!tpu.dma_semaphore, #tpu.memory_space<semaphore_mem>>
      %dma_start3A = arith.constant 0 : i32
      %dma_start3A_7 = arith.constant 0 : i32
      %dma_start3A_8 = tpu.memref_slice %arg2[%arg0, %arg1, %dma_start3A, %dma_start3A_7] : memref<2x16x160x128xi32, #tpu.memory_space<hbm>> -> memref<1x1x160x128xi32, #tpu.memory_space<hbm>>
      %dma_start3A_9 = tpu.memref_squeeze %dma_start3A_8 : memref<1x1x160x128xi32, #tpu.memory_space<hbm>> -> memref<160x128xi32, #tpu.memory_space<hbm>>
      %dma_start3A_10 = arith.constant 0 : i32
      %dma_start3A_11 = arith.constant 0 : i32
      %dma_start3A_12 = tpu.memref_slice %arg2[%arg0, %arg1, %dma_start3A_10, %dma_start3A_11] : memref<2x16x160x128xi32, #tpu.memory_space<hbm>> -> memref<1x1x160x128xi32, #tpu.memory_space<hbm>>
      %dma_start3A_13 = tpu.memref_squeeze %dma_start3A_12 : memref<1x1x160x128xi32, #tpu.memory_space<hbm>> -> memref<160x128xi32, #tpu.memory_space<hbm>>
      tpu.enqueue_dma source(%dma_start3A_13 : memref<160x128xi32, #tpu.memory_space<hbm>>) target(%arg6 : memref<160x128xi32, #tpu.memory_space<vmem>>) target_semaphore(%run_scoped3A : memref<!tpu.dma_semaphore, #tpu.memory_space<semaphore_mem>>)
      %dma_wait3A = arith.constant 0 : i32
      %dma_wait3A_14 = arith.constant 0 : i32
      %dma_wait3A_15 = tpu.memref_slice %arg2[%arg0, %arg1, %dma_wait3A, %dma_wait3A_14] : memref<2x16x160x128xi32, #tpu.memory_space<hbm>> -> memref<1x1x160x128xi32, #tpu.memory_space<hbm>>
      %dma_wait3A_16 = tpu.memref_squeeze %dma_wait3A_15 : memref<1x1x160x128xi32, #tpu.memory_space<hbm>> -> memref<160x128xi32, #tpu.memory_space<hbm>>
      %dma_wait3A_17 = arith.constant 0 : i32
      %dma_wait3A_18 = arith.constant 0 : i32
      %dma_wait3A_19 = tpu.memref_slice %arg2[%arg0, %arg1, %dma_wait3A_17, %dma_wait3A_18] : memref<2x16x160x128xi32, #tpu.memory_space<hbm>> -> memref<1x1x160x128xi32, #tpu.memory_space<hbm>>
      %dma_wait3A_20 = tpu.memref_squeeze %dma_wait3A_19 : memref<1x1x160x128xi32, #tpu.memory_space<hbm>> -> memref<160x128xi32, #tpu.memory_space<hbm>>
      tpu.wait_dma2 semaphore(%run_scoped3A : memref<!tpu.dma_semaphore, #tpu.memory_space<semaphore_mem>>) src(%dma_wait3A_20 : memref<160x128xi32, #tpu.memory_space<hbm>>) dst(%arg6 : memref<160x128xi32, #tpu.memory_space<vmem>>)
      tpu.yield
    }) : () -> ()
    %barrier3A = arith.constant 0 : index
    tpu.barrier barrier_id(%barrier3A)
    %scan3A = arith.constant 0 : i32
    %scan3A_1 = arith.constant 0 : i32
    %scan3A_2 = arith.constant 160 : i32
    %scan3A_3 = arith.addi %scan3A_1, %scan3A_2 : i32
    %scan3A_4 = arith.constant 1 : i32
    scf.for %scan3A_7 = %scan3A_1 to %scan3A_3 step %scan3A_4  : i32 {
      "tpu.region"() ({
        %run_scoped3A = tpu.sem_alloc : memref<!tpu.dma_semaphore, #tpu.memory_space<semaphore_mem>>
        %dma_start3A = arith.constant 0 : i32
        %dma_start3A_8 = tpu.memref_slice %arg6[%scan3A_7, %dma_start3A] : memref<160x128xi32, #tpu.memory_space<vmem>> -> memref<1x128xi32, #tpu.memory_space<vmem>>
        %dma_start3A_9 = tpu.memref_squeeze %dma_start3A_8 : memref<1x128xi32, #tpu.memory_space<vmem>> -> memref<128xi32, #tpu.memory_space<vmem>>
        %dma_start3A_10 = arith.constant 0 : i32
        %dma_start3A_11 = arith.constant 0 : i32
        %dma_start3A_12 = tpu.memref_slice %arg8[%dma_start3A_10, %dma_start3A_11] : memref<10112x128xf32, #tpu.memory_space<vmem_shared>> -> memref<10112x128xf32, #tpu.memory_space<vmem_shared>>
        tpu.enqueue_indirect_dma source(%arg7 : memref<128x128xf32, #tpu.memory_space<vmem>>) target(%dma_start3A_12 : memref<10112x128xf32, #tpu.memory_space<vmem_shared>>) offsets(%dma_start3A_9 : memref<128xi32, #tpu.memory_space<vmem>>) semaphore(%run_scoped3A : memref<!tpu.dma_semaphore, #tpu.memory_space<semaphore_mem>>) {add = true}
        %dma_wait3A = arith.constant 0 : i32
        %dma_wait3A_13 = tpu.memref_slice %arg6[%scan3A_7, %dma_wait3A] : memref<160x128xi32, #tpu.memory_space<vmem>> -> memref<1x128xi32, #tpu.memory_space<vmem>>
        %dma_wait3A_14 = tpu.memref_squeeze %dma_wait3A_13 : memref<1x128xi32, #tpu.memory_space<vmem>> -> memref<128xi32, #tpu.memory_space<vmem>>
        %dma_wait3A_15 = arith.constant 0 : i32
        %dma_wait3A_16 = arith.constant 0 : i32
        %dma_wait3A_17 = tpu.memref_slice %arg8[%dma_wait3A_15, %dma_wait3A_16] : memref<10112x128xf32, #tpu.memory_space<vmem_shared>> -> memref<10112x128xf32, #tpu.memory_space<vmem_shared>>
        tpu.wait_indirect_dma semaphore(%run_scoped3A : memref<!tpu.dma_semaphore, #tpu.memory_space<semaphore_mem>>) src(%arg7 : memref<128x128xf32, #tpu.memory_space<vmem>>) dst(%dma_wait3A_17 : memref<10112x128xf32, #tpu.memory_space<vmem_shared>>)
        tpu.yield
      }) : () -> ()
    }
    %scan3A_5 = arith.constant 160 : i32
    %barrier3A_6 = arith.constant 0 : index
    tpu.barrier barrier_id(%barrier3A_6)
    "tpu.region"() ({
      %run_scoped3A = tpu.sem_alloc : memref<!tpu.dma_semaphore, #tpu.memory_space<semaphore_mem>>
      %dma_start3A = arith.constant 0 : i32
      %dma_start3A_7 = tpu.memref_slice %arg5[%arg0, %mul3A_0, %dma_start3A] : memref<2x10112x128xf32, #tpu.memory_space<hbm>> -> memref<1x632x128xf32, #tpu.memory_space<hbm>>
      %dma_start3A_8 = tpu.memref_squeeze %dma_start3A_7 : memref<1x632x128xf32, #tpu.memory_space<hbm>> -> memref<632x128xf32, #tpu.memory_space<hbm>>
      %dma_start3A_9 = arith.constant 0 : i32
      %dma_start3A_10 = tpu.memref_slice %arg8[%mul3A_0, %dma_start3A_9] : memref<10112x128xf32, #tpu.memory_space<vmem_shared>> -> memref<632x128xf32, #tpu.memory_space<vmem_shared>>
      tpu.enqueue_dma source(%dma_start3A_10 : memref<632x128xf32, #tpu.memory_space<vmem_shared>>) target(%dma_start3A_8 : memref<632x128xf32, #tpu.memory_space<hbm>>) target_semaphore(%run_scoped3A : memref<!tpu.dma_semaphore, #tpu.memory_space<semaphore_mem>>)
      %dma_wait3A = arith.constant 0 : i32
      %dma_wait3A_11 = tpu.memref_slice %arg5[%arg0, %mul3A_0, %dma_wait3A] : memref<2x10112x128xf32, #tpu.memory_space<hbm>> -> memref<1x632x128xf32, #tpu.memory_space<hbm>>
      %dma_wait3A_12 = tpu.memref_squeeze %dma_wait3A_11 : memref<1x632x128xf32, #tpu.memory_space<hbm>> -> memref<632x128xf32, #tpu.memory_space<hbm>>
      %dma_wait3A_13 = arith.constant 0 : i32
      %dma_wait3A_14 = tpu.memref_slice %arg8[%mul3A_0, %dma_wait3A_13] : memref<10112x128xf32, #tpu.memory_space<vmem_shared>> -> memref<632x128xf32, #tpu.memory_space<vmem_shared>>
      tpu.wait_dma2 semaphore(%run_scoped3A : memref<!tpu.dma_semaphore, #tpu.memory_space<semaphore_mem>>) src(%dma_wait3A_14 : memref<632x128xf32, #tpu.memory_space<vmem_shared>>) dst(%dma_wait3A_12 : memref<632x128xf32, #tpu.memory_space<hbm>>)
      tpu.yield
    }) : () -> ()
    return
  }
}

#map = affine_map<(d0, d1) -> (0, 0)>
#map1 = affine_map<(d0, d1) -> (0, 0, 0)>
#map2 = affine_map<(d0, d1) -> (0, 0, 0, 0)>
module attributes {stable_mosaic.version = 14 : i64} {
  func.func @_sc_msg_body(%arg0: i32, %arg1: i32, %arg2: memref<10000x128xf32, #tpu.memory_space<hbm>>, %arg3: memref<32x80x128xi32, #tpu.memory_space<hbm>>, %arg4: memref<32x10x8x128xi32, #tpu.memory_space<hbm>>, %arg5: memref<632x128xf32, #tpu.memory_space<hbm>>, %arg6: memref<2x10112x128xf32, #tpu.memory_space<hbm>>, %arg7: memref<80x128xi32, #tpu.memory_space<vmem>>, %arg8: memref<2x8x128xi32, #tpu.memory_space<vmem>>, %arg9: memref<2x128x128xf32, #tpu.memory_space<vmem>>, %arg10: memref<!tpu.dma_semaphore, #tpu.memory_space<semaphore_mem>>, %arg11: memref<10112x128xf32, #tpu.memory_space<vmem_shared>>) attributes {dimension_semantics = [#tpu.dimension_semantics<core_parallel>, #tpu.dimension_semantics<subcore_parallel>], iteration_bounds = array<i64: 2, 16>, scalar_prefetch = 0 : i64, scratch_operands = 5 : i64, tpu.core_type = #tpu.core_type<sc_vector_subcore>, window_params = [{transform_indices = #map}, {transform_indices = #map1}, {transform_indices = #map2}, {transform_indices = #map}, {transform_indices = #map1}]} {
    %mul3A = arith.constant 16 : i32
    %mul3A_0 = arith.muli %arg0, %mul3A : i32
    %add3A = arith.addi %mul3A_0, %arg1 : i32
    %mul3A_1 = arith.constant 632 : i32
    %mul3A_2 = arith.muli %arg1, %mul3A_1 : i32
    "tpu.region"() ({
      %run_scoped3A_35 = tpu.sem_alloc : memref<!tpu.dma_semaphore, #tpu.memory_space<semaphore_mem>>
      %dma_start3A_36 = arith.constant 0 : i32
      %dma_start3A_37 = tpu.memref_slice %arg11[%mul3A_2, %dma_start3A_36] : memref<10112x128xf32, #tpu.memory_space<vmem_shared>> -> memref<632x128xf32, #tpu.memory_space<vmem_shared>>
      tpu.enqueue_dma source(%arg5 : memref<632x128xf32, #tpu.memory_space<hbm>>) target(%dma_start3A_37 : memref<632x128xf32, #tpu.memory_space<vmem_shared>>) target_semaphore(%run_scoped3A_35 : memref<!tpu.dma_semaphore, #tpu.memory_space<semaphore_mem>>)
      %dma_wait3A_38 = arith.constant 0 : i32
      %dma_wait3A_39 = tpu.memref_slice %arg11[%mul3A_2, %dma_wait3A_38] : memref<10112x128xf32, #tpu.memory_space<vmem_shared>> -> memref<632x128xf32, #tpu.memory_space<vmem_shared>>
      tpu.wait_dma2 semaphore(%run_scoped3A_35 : memref<!tpu.dma_semaphore, #tpu.memory_space<semaphore_mem>>) src(%arg5 : memref<632x128xf32, #tpu.memory_space<hbm>>) dst(%dma_wait3A_39 : memref<632x128xf32, #tpu.memory_space<vmem_shared>>)
      tpu.yield
    }) : () -> ()
    "tpu.region"() ({
      %run_scoped3A_35 = tpu.sem_alloc : memref<!tpu.dma_semaphore, #tpu.memory_space<semaphore_mem>>
      %dma_start3A_36 = arith.constant 0 : i32
      %dma_start3A_37 = arith.constant 0 : i32
      %dma_start3A_38 = tpu.memref_slice %arg3[%add3A, %dma_start3A_36, %dma_start3A_37] : memref<32x80x128xi32, #tpu.memory_space<hbm>> -> memref<1x80x128xi32, #tpu.memory_space<hbm>>
      %dma_start3A_39 = tpu.memref_squeeze %dma_start3A_38 : memref<1x80x128xi32, #tpu.memory_space<hbm>> -> memref<80x128xi32, #tpu.memory_space<hbm>>
      %dma_start3A_40 = arith.constant 0 : i32
      %dma_start3A_41 = arith.constant 0 : i32
      %dma_start3A_42 = tpu.memref_slice %arg3[%add3A, %dma_start3A_40, %dma_start3A_41] : memref<32x80x128xi32, #tpu.memory_space<hbm>> -> memref<1x80x128xi32, #tpu.memory_space<hbm>>
      %dma_start3A_43 = tpu.memref_squeeze %dma_start3A_42 : memref<1x80x128xi32, #tpu.memory_space<hbm>> -> memref<80x128xi32, #tpu.memory_space<hbm>>
      tpu.enqueue_dma source(%dma_start3A_43 : memref<80x128xi32, #tpu.memory_space<hbm>>) target(%arg7 : memref<80x128xi32, #tpu.memory_space<vmem>>) target_semaphore(%run_scoped3A_35 : memref<!tpu.dma_semaphore, #tpu.memory_space<semaphore_mem>>)
      %dma_wait3A_44 = arith.constant 0 : i32
      %dma_wait3A_45 = arith.constant 0 : i32
      %dma_wait3A_46 = tpu.memref_slice %arg3[%add3A, %dma_wait3A_44, %dma_wait3A_45] : memref<32x80x128xi32, #tpu.memory_space<hbm>> -> memref<1x80x128xi32, #tpu.memory_space<hbm>>
      %dma_wait3A_47 = tpu.memref_squeeze %dma_wait3A_46 : memref<1x80x128xi32, #tpu.memory_space<hbm>> -> memref<80x128xi32, #tpu.memory_space<hbm>>
      %dma_wait3A_48 = arith.constant 0 : i32
      %dma_wait3A_49 = arith.constant 0 : i32
      %dma_wait3A_50 = tpu.memref_slice %arg3[%add3A, %dma_wait3A_48, %dma_wait3A_49] : memref<32x80x128xi32, #tpu.memory_space<hbm>> -> memref<1x80x128xi32, #tpu.memory_space<hbm>>
      %dma_wait3A_51 = tpu.memref_squeeze %dma_wait3A_50 : memref<1x80x128xi32, #tpu.memory_space<hbm>> -> memref<80x128xi32, #tpu.memory_space<hbm>>
      tpu.wait_dma2 semaphore(%run_scoped3A_35 : memref<!tpu.dma_semaphore, #tpu.memory_space<semaphore_mem>>) src(%dma_wait3A_51 : memref<80x128xi32, #tpu.memory_space<hbm>>) dst(%arg7 : memref<80x128xi32, #tpu.memory_space<vmem>>)
      tpu.yield
    }) : () -> ()
    %run_scoped3A = arith.constant 0 : i32
    %run_scoped3A_3 = arith.constant 0 : i32
    "tpu.region"() ({
      %run_scoped3A_35 = tpu.sem_alloc : memref<!tpu.dma_semaphore, #tpu.memory_space<semaphore_mem>>
      %dma_start3A_36 = arith.constant 0 : i32
      %dma_start3A_37 = arith.constant 0 : i32
      %dma_start3A_38 = tpu.memref_slice %arg8[%run_scoped3A_3, %dma_start3A_36, %dma_start3A_37] : memref<2x8x128xi32, #tpu.memory_space<vmem>> -> memref<1x8x128xi32, #tpu.memory_space<vmem>>
      %dma_start3A_39 = tpu.memref_squeeze %dma_start3A_38 : memref<1x8x128xi32, #tpu.memory_space<vmem>> -> memref<8x128xi32, #tpu.memory_space<vmem>>
      %dma_start3A_40 = arith.constant 0 : i32
      %dma_start3A_41 = arith.constant 0 : i32
      %dma_start3A_42 = tpu.memref_slice %arg4[%add3A, %run_scoped3A, %dma_start3A_40, %dma_start3A_41] : memref<32x10x8x128xi32, #tpu.memory_space<hbm>> -> memref<1x1x8x128xi32, #tpu.memory_space<hbm>>
      %dma_start3A_43 = tpu.memref_squeeze %dma_start3A_42 : memref<1x1x8x128xi32, #tpu.memory_space<hbm>> -> memref<8x128xi32, #tpu.memory_space<hbm>>
      %dma_start3A_44 = arith.constant 0 : i32
      %dma_start3A_45 = arith.constant 0 : i32
      %dma_start3A_46 = tpu.memref_slice %arg8[%run_scoped3A_3, %dma_start3A_44, %dma_start3A_45] : memref<2x8x128xi32, #tpu.memory_space<vmem>> -> memref<1x8x128xi32, #tpu.memory_space<vmem>>
      %dma_start3A_47 = tpu.memref_squeeze %dma_start3A_46 : memref<1x8x128xi32, #tpu.memory_space<vmem>> -> memref<8x128xi32, #tpu.memory_space<vmem>>
      %dma_start3A_48 = arith.constant 0 : i32
      %dma_start3A_49 = arith.constant 0 : i32
      %dma_start3A_50 = tpu.memref_slice %arg4[%add3A, %run_scoped3A, %dma_start3A_48, %dma_start3A_49] : memref<32x10x8x128xi32, #tpu.memory_space<hbm>> -> memref<1x1x8x128xi32, #tpu.memory_space<hbm>>
      %dma_start3A_51 = tpu.memref_squeeze %dma_start3A_50 : memref<1x1x8x128xi32, #tpu.memory_space<hbm>> -> memref<8x128xi32, #tpu.memory_space<hbm>>
      tpu.enqueue_dma source(%dma_start3A_51 : memref<8x128xi32, #tpu.memory_space<hbm>>) target(%dma_start3A_47 : memref<8x128xi32, #tpu.memory_space<vmem>>) target_semaphore(%run_scoped3A_35 : memref<!tpu.dma_semaphore, #tpu.memory_space<semaphore_mem>>)
      %dma_wait3A_52 = arith.constant 0 : i32
      %dma_wait3A_53 = arith.constant 0 : i32
      %dma_wait3A_54 = tpu.memref_slice %arg8[%run_scoped3A_3, %dma_wait3A_52, %dma_wait3A_53] : memref<2x8x128xi32, #tpu.memory_space<vmem>> -> memref<1x8x128xi32, #tpu.memory_space<vmem>>
      %dma_wait3A_55 = tpu.memref_squeeze %dma_wait3A_54 : memref<1x8x128xi32, #tpu.memory_space<vmem>> -> memref<8x128xi32, #tpu.memory_space<vmem>>
      %dma_wait3A_56 = arith.constant 0 : i32
      %dma_wait3A_57 = arith.constant 0 : i32
      %dma_wait3A_58 = tpu.memref_slice %arg4[%add3A, %run_scoped3A, %dma_wait3A_56, %dma_wait3A_57] : memref<32x10x8x128xi32, #tpu.memory_space<hbm>> -> memref<1x1x8x128xi32, #tpu.memory_space<hbm>>
      %dma_wait3A_59 = tpu.memref_squeeze %dma_wait3A_58 : memref<1x1x8x128xi32, #tpu.memory_space<hbm>> -> memref<8x128xi32, #tpu.memory_space<hbm>>
      %dma_wait3A_60 = arith.constant 0 : i32
      %dma_wait3A_61 = arith.constant 0 : i32
      %dma_wait3A_62 = tpu.memref_slice %arg8[%run_scoped3A_3, %dma_wait3A_60, %dma_wait3A_61] : memref<2x8x128xi32, #tpu.memory_space<vmem>> -> memref<1x8x128xi32, #tpu.memory_space<vmem>>
      %dma_wait3A_63 = tpu.memref_squeeze %dma_wait3A_62 : memref<1x8x128xi32, #tpu.memory_space<vmem>> -> memref<8x128xi32, #tpu.memory_space<vmem>>
      %dma_wait3A_64 = arith.constant 0 : i32
      %dma_wait3A_65 = arith.constant 0 : i32
      %dma_wait3A_66 = tpu.memref_slice %arg4[%add3A, %run_scoped3A, %dma_wait3A_64, %dma_wait3A_65] : memref<32x10x8x128xi32, #tpu.memory_space<hbm>> -> memref<1x1x8x128xi32, #tpu.memory_space<hbm>>
      %dma_wait3A_67 = tpu.memref_squeeze %dma_wait3A_66 : memref<1x1x8x128xi32, #tpu.memory_space<hbm>> -> memref<8x128xi32, #tpu.memory_space<hbm>>
      tpu.wait_dma2 semaphore(%run_scoped3A_35 : memref<!tpu.dma_semaphore, #tpu.memory_space<semaphore_mem>>) src(%dma_wait3A_67 : memref<8x128xi32, #tpu.memory_space<hbm>>) dst(%dma_wait3A_63 : memref<8x128xi32, #tpu.memory_space<vmem>>)
      tpu.yield
    }) : () -> ()
    %barrier3A = arith.constant 0 : index
    tpu.barrier barrier_id(%barrier3A)
    %dma_start3A = arith.constant 0 : i32
    %dma_start3A_4 = arith.constant 0 : i32
    %dma_start3A_5 = arith.constant 0 : i32
    %dma_start3A_6 = arith.constant 0 : i32
    %dma_start3A_7 = tpu.memref_slice %arg9[%dma_start3A_4, %dma_start3A_5, %dma_start3A_6] : memref<2x128x128xf32, #tpu.memory_space<vmem>> -> memref<1x128x128xf32, #tpu.memory_space<vmem>>
    %dma_start3A_8 = tpu.memref_squeeze %dma_start3A_7 : memref<1x128x128xf32, #tpu.memory_space<vmem>> -> memref<128x128xf32, #tpu.memory_space<vmem>>
    %dma_start3A_9 = arith.constant 0 : i32
    %dma_start3A_10 = tpu.memref_slice %arg7[%dma_start3A, %dma_start3A_9] : memref<80x128xi32, #tpu.memory_space<vmem>> -> memref<1x128xi32, #tpu.memory_space<vmem>>
    %dma_start3A_11 = tpu.memref_squeeze %dma_start3A_10 : memref<1x128xi32, #tpu.memory_space<vmem>> -> memref<128xi32, #tpu.memory_space<vmem>>
    %dma_start3A_12 = arith.constant 0 : i32
    %dma_start3A_13 = arith.constant 0 : i32
    %dma_start3A_14 = tpu.memref_slice %arg2[%dma_start3A_12, %dma_start3A_13] : memref<10000x128xf32, #tpu.memory_space<hbm>> -> memref<10000x128xf32, #tpu.memory_space<hbm>>
    tpu.enqueue_indirect_dma source(%dma_start3A_14 : memref<10000x128xf32, #tpu.memory_space<hbm>>) target(%dma_start3A_8 : memref<128x128xf32, #tpu.memory_space<vmem>>) offsets(%dma_start3A_11 : memref<128xi32, #tpu.memory_space<vmem>>) semaphore(%arg10 : memref<!tpu.dma_semaphore, #tpu.memory_space<semaphore_mem>>)
    %scan3A = arith.constant 0 : i32
    %scan3A_15 = arith.constant 0 : i32
    %scan3A_16 = arith.constant 79 : i32
    %scan3A_17 = arith.addi %scan3A_15, %scan3A_16 : i32
    %scan3A_18 = arith.constant 1 : i32
    scf.for %scan3A_35 = %scan3A_15 to %scan3A_17 step %scan3A_18  : i32 {
      %add3A_36 = arith.constant 1 : i32
      %add3A_37 = arith.addi %scan3A_35, %add3A_36 : i32
      %jit3A = arith.constant 8 : i32
      %div3A = arith.divsi %add3A_37, %jit3A : i32
      %sign3A = arith.constant 0 : i32
      %sign3A_38 = arith.cmpi sgt, %add3A_37, %sign3A : i32
      %sign3A_39 = arith.extui %sign3A_38 : i1 to i32
      %sign3A_40 = arith.constant 0 : i32
      %sign3A_41 = arith.cmpi slt, %add3A_37, %sign3A_40 : i32
      %sign3A_42 = arith.extui %sign3A_41 : i1 to i32
      %sign3A_43 = arith.subi %sign3A_39, %sign3A_42 : i32
      %sign3A_44 = arith.constant 0 : i32
      %sign3A_45 = arith.cmpi sgt, %jit3A, %sign3A_44 : i32
      %sign3A_46 = arith.extui %sign3A_45 : i1 to i32
      %sign3A_47 = arith.constant 0 : i32
      %sign3A_48 = arith.cmpi slt, %jit3A, %sign3A_47 : i32
      %sign3A_49 = arith.extui %sign3A_48 : i1 to i32
      %sign3A_50 = arith.subi %sign3A_46, %sign3A_49 : i32
      %ne3A = arith.cmpi ne, %sign3A_43, %sign3A_50 : i32
      %rem3A = arith.remsi %add3A_37, %jit3A : i32
      %ne3A_51 = arith.constant 0 : i32
      %ne3A_52 = arith.cmpi ne, %rem3A, %ne3A_51 : i32
      %and3A = arith.andi %ne3A, %ne3A_52 : i1
      %sub3A = arith.constant 1 : i32
      %sub3A_53 = arith.subi %div3A, %sub3A : i32
      %select_n3A = arith.select %and3A, %sub3A_53, %div3A : i32
      %jit3A_54 = arith.constant 8 : i32
      %eq3A = arith.constant 0 : i32
      %eq3A_55 = arith.cmpi eq, %jit3A_54, %eq3A : i32
      %jit3A_56 = arith.constant 1 : i32
      %select_n3A_57 = arith.select %eq3A_55, %jit3A_56, %jit3A_54 : i32
      %rem3A_58 = arith.remsi %add3A_37, %select_n3A_57 : i32
      %ne3A_59 = arith.constant 0 : i32
      %ne3A_60 = arith.cmpi ne, %rem3A_58, %ne3A_59 : i32
      %lt3A = arith.constant 0 : i32
      %lt3A_61 = arith.cmpi slt, %rem3A_58, %lt3A : i32
      %lt3A_62 = arith.constant 0 : i32
      %lt3A_63 = arith.cmpi slt, %select_n3A_57, %lt3A_62 : i32
      %ne3A_64 = arith.xori %lt3A_61, %lt3A_63 : i1
      %and3A_65 = arith.andi %ne3A_64, %ne3A_60 : i1
      %add3A_66 = arith.addi %rem3A_58, %select_n3A_57 : i32
      %select_n3A_67 = arith.select %and3A_65, %add3A_66, %rem3A_58 : i32
      %eq3A_68 = arith.constant 0 : i32
      %eq3A_69 = arith.cmpi eq, %select_n3A_67, %eq3A_68 : i32
      %convert_element_type3A = arith.extui %eq3A_69 : i1 to i32
      %cond3A = arith.constant 0 : i32
      %cond3A_70 = arith.cmpi ne, %convert_element_type3A, %cond3A : i32
      scf.if %cond3A_70 {
        %jit3A_196 = arith.constant 2 : i32
        %eq3A_197 = arith.constant 0 : i32
        %eq3A_198 = arith.cmpi eq, %jit3A_196, %eq3A_197 : i32
        %jit3A_199 = arith.constant 1 : i32
        %select_n3A_200 = arith.select %eq3A_198, %jit3A_199, %jit3A_196 : i32
        %rem3A_201 = arith.remsi %select_n3A, %select_n3A_200 : i32
        %ne3A_202 = arith.constant 0 : i32
        %ne3A_203 = arith.cmpi ne, %rem3A_201, %ne3A_202 : i32
        %lt3A_204 = arith.constant 0 : i32
        %lt3A_205 = arith.cmpi slt, %rem3A_201, %lt3A_204 : i32
        %lt3A_206 = arith.constant 0 : i32
        %lt3A_207 = arith.cmpi slt, %select_n3A_200, %lt3A_206 : i32
        %ne3A_208 = arith.xori %lt3A_205, %lt3A_207 : i1
        %and3A_209 = arith.andi %ne3A_208, %ne3A_203 : i1
        %add3A_210 = arith.addi %rem3A_201, %select_n3A_200 : i32
        %select_n3A_211 = arith.select %and3A_209, %add3A_210, %rem3A_201 : i32
        "tpu.region"() ({
          %run_scoped3A_212 = tpu.sem_alloc : memref<!tpu.dma_semaphore, #tpu.memory_space<semaphore_mem>>
          %dma_start3A_213 = arith.constant 0 : i32
          %dma_start3A_214 = arith.constant 0 : i32
          %dma_start3A_215 = tpu.memref_slice %arg8[%select_n3A_211, %dma_start3A_213, %dma_start3A_214] : memref<2x8x128xi32, #tpu.memory_space<vmem>> -> memref<1x8x128xi32, #tpu.memory_space<vmem>>
          %dma_start3A_216 = tpu.memref_squeeze %dma_start3A_215 : memref<1x8x128xi32, #tpu.memory_space<vmem>> -> memref<8x128xi32, #tpu.memory_space<vmem>>
          %dma_start3A_217 = arith.constant 0 : i32
          %dma_start3A_218 = arith.constant 0 : i32
          %dma_start3A_219 = tpu.memref_slice %arg4[%add3A, %select_n3A, %dma_start3A_217, %dma_start3A_218] : memref<32x10x8x128xi32, #tpu.memory_space<hbm>> -> memref<1x1x8x128xi32, #tpu.memory_space<hbm>>
          %dma_start3A_220 = tpu.memref_squeeze %dma_start3A_219 : memref<1x1x8x128xi32, #tpu.memory_space<hbm>> -> memref<8x128xi32, #tpu.memory_space<hbm>>
          %dma_start3A_221 = arith.constant 0 : i32
          %dma_start3A_222 = arith.constant 0 : i32
          %dma_start3A_223 = tpu.memref_slice %arg8[%select_n3A_211, %dma_start3A_221, %dma_start3A_222] : memref<2x8x128xi32, #tpu.memory_space<vmem>> -> memref<1x8x128xi32, #tpu.memory_space<vmem>>
          %dma_start3A_224 = tpu.memref_squeeze %dma_start3A_223 : memref<1x8x128xi32, #tpu.memory_space<vmem>> -> memref<8x128xi32, #tpu.memory_space<vmem>>
          %dma_start3A_225 = arith.constant 0 : i32
          %dma_start3A_226 = arith.constant 0 : i32
          %dma_start3A_227 = tpu.memref_slice %arg4[%add3A, %select_n3A, %dma_start3A_225, %dma_start3A_226] : memref<32x10x8x128xi32, #tpu.memory_space<hbm>> -> memref<1x1x8x128xi32, #tpu.memory_space<hbm>>
          %dma_start3A_228 = tpu.memref_squeeze %dma_start3A_227 : memref<1x1x8x128xi32, #tpu.memory_space<hbm>> -> memref<8x128xi32, #tpu.memory_space<hbm>>
          tpu.enqueue_dma source(%dma_start3A_228 : memref<8x128xi32, #tpu.memory_space<hbm>>) target(%dma_start3A_224 : memref<8x128xi32, #tpu.memory_space<vmem>>) target_semaphore(%run_scoped3A_212 : memref<!tpu.dma_semaphore, #tpu.memory_space<semaphore_mem>>)
          %dma_wait3A_229 = arith.constant 0 : i32
          %dma_wait3A_230 = arith.constant 0 : i32
          %dma_wait3A_231 = tpu.memref_slice %arg8[%select_n3A_211, %dma_wait3A_229, %dma_wait3A_230] : memref<2x8x128xi32, #tpu.memory_space<vmem>> -> memref<1x8x128xi32, #tpu.memory_space<vmem>>
          %dma_wait3A_232 = tpu.memref_squeeze %dma_wait3A_231 : memref<1x8x128xi32, #tpu.memory_space<vmem>> -> memref<8x128xi32, #tpu.memory_space<vmem>>
          %dma_wait3A_233 = arith.constant 0 : i32
          %dma_wait3A_234 = arith.constant 0 : i32
          %dma_wait3A_235 = tpu.memref_slice %arg4[%add3A, %select_n3A, %dma_wait3A_233, %dma_wait3A_234] : memref<32x10x8x128xi32, #tpu.memory_space<hbm>> -> memref<1x1x8x128xi32, #tpu.memory_space<hbm>>
          %dma_wait3A_236 = tpu.memref_squeeze %dma_wait3A_235 : memref<1x1x8x128xi32, #tpu.memory_space<hbm>> -> memref<8x128xi32, #tpu.memory_space<hbm>>
          %dma_wait3A_237 = arith.constant 0 : i32
          %dma_wait3A_238 = arith.constant 0 : i32
          %dma_wait3A_239 = tpu.memref_slice %arg8[%select_n3A_211, %dma_wait3A_237, %dma_wait3A_238] : memref<2x8x128xi32, #tpu.memory_space<vmem>> -> memref<1x8x128xi32, #tpu.memory_space<vmem>>
          %dma_wait3A_240 = tpu.memref_squeeze %dma_wait3A_239 : memref<1x8x128xi32, #tpu.memory_space<vmem>> -> memref<8x128xi32, #tpu.memory_space<vmem>>
          %dma_wait3A_241 = arith.constant 0 : i32
          %dma_wait3A_242 = arith.constant 0 : i32
          %dma_wait3A_243 = tpu.memref_slice %arg4[%add3A, %select_n3A, %dma_wait3A_241, %dma_wait3A_242] : memref<32x10x8x128xi32, #tpu.memory_space<hbm>> -> memref<1x1x8x128xi32, #tpu.memory_space<hbm>>
          %dma_wait3A_244 = tpu.memref_squeeze %dma_wait3A_243 : memref<1x1x8x128xi32, #tpu.memory_space<hbm>> -> memref<8x128xi32, #tpu.memory_space<hbm>>
          tpu.wait_dma2 semaphore(%run_scoped3A_212 : memref<!tpu.dma_semaphore, #tpu.memory_space<semaphore_mem>>) src(%dma_wait3A_244 : memref<8x128xi32, #tpu.memory_space<hbm>>) dst(%dma_wait3A_240 : memref<8x128xi32, #tpu.memory_space<vmem>>)
          tpu.yield
        }) : () -> ()
      } else {
      }
      %jit3A_71 = arith.constant 2 : i32
      %eq3A_72 = arith.constant 0 : i32
      %eq3A_73 = arith.cmpi eq, %jit3A_71, %eq3A_72 : i32
      %jit3A_74 = arith.constant 1 : i32
      %select_n3A_75 = arith.select %eq3A_73, %jit3A_74, %jit3A_71 : i32
      %rem3A_76 = arith.remsi %add3A_37, %select_n3A_75 : i32
      %ne3A_77 = arith.constant 0 : i32
      %ne3A_78 = arith.cmpi ne, %rem3A_76, %ne3A_77 : i32
      %lt3A_79 = arith.constant 0 : i32
      %lt3A_80 = arith.cmpi slt, %rem3A_76, %lt3A_79 : i32
      %lt3A_81 = arith.constant 0 : i32
      %lt3A_82 = arith.cmpi slt, %select_n3A_75, %lt3A_81 : i32
      %ne3A_83 = arith.xori %lt3A_80, %lt3A_82 : i1
      %and3A_84 = arith.andi %ne3A_83, %ne3A_78 : i1
      %add3A_85 = arith.addi %rem3A_76, %select_n3A_75 : i32
      %select_n3A_86 = arith.select %and3A_84, %add3A_85, %rem3A_76 : i32
      %dma_start3A_87 = arith.constant 0 : i32
      %dma_start3A_88 = arith.constant 0 : i32
      %dma_start3A_89 = tpu.memref_slice %arg9[%select_n3A_86, %dma_start3A_87, %dma_start3A_88] : memref<2x128x128xf32, #tpu.memory_space<vmem>> -> memref<1x128x128xf32, #tpu.memory_space<vmem>>
      %dma_start3A_90 = tpu.memref_squeeze %dma_start3A_89 : memref<1x128x128xf32, #tpu.memory_space<vmem>> -> memref<128x128xf32, #tpu.memory_space<vmem>>
      %dma_start3A_91 = arith.constant 0 : i32
      %dma_start3A_92 = tpu.memref_slice %arg7[%add3A_37, %dma_start3A_91] : memref<80x128xi32, #tpu.memory_space<vmem>> -> memref<1x128xi32, #tpu.memory_space<vmem>>
      %dma_start3A_93 = tpu.memref_squeeze %dma_start3A_92 : memref<1x128xi32, #tpu.memory_space<vmem>> -> memref<128xi32, #tpu.memory_space<vmem>>
      %dma_start3A_94 = arith.constant 0 : i32
      %dma_start3A_95 = arith.constant 0 : i32
      %dma_start3A_96 = tpu.memref_slice %arg2[%dma_start3A_94, %dma_start3A_95] : memref<10000x128xf32, #tpu.memory_space<hbm>> -> memref<10000x128xf32, #tpu.memory_space<hbm>>
      tpu.enqueue_indirect_dma source(%dma_start3A_96 : memref<10000x128xf32, #tpu.memory_space<hbm>>) target(%dma_start3A_90 : memref<128x128xf32, #tpu.memory_space<vmem>>) offsets(%dma_start3A_93 : memref<128xi32, #tpu.memory_space<vmem>>) semaphore(%arg10 : memref<!tpu.dma_semaphore, #tpu.memory_space<semaphore_mem>>)
      %jit3A_97 = arith.constant 2 : i32
      %eq3A_98 = arith.constant 0 : i32
      %eq3A_99 = arith.cmpi eq, %jit3A_97, %eq3A_98 : i32
      %jit3A_100 = arith.constant 1 : i32
      %select_n3A_101 = arith.select %eq3A_99, %jit3A_100, %jit3A_97 : i32
      %rem3A_102 = arith.remsi %scan3A_35, %select_n3A_101 : i32
      %ne3A_103 = arith.constant 0 : i32
      %ne3A_104 = arith.cmpi ne, %rem3A_102, %ne3A_103 : i32
      %lt3A_105 = arith.constant 0 : i32
      %lt3A_106 = arith.cmpi slt, %rem3A_102, %lt3A_105 : i32
      %lt3A_107 = arith.constant 0 : i32
      %lt3A_108 = arith.cmpi slt, %select_n3A_101, %lt3A_107 : i32
      %ne3A_109 = arith.xori %lt3A_106, %lt3A_108 : i1
      %and3A_110 = arith.andi %ne3A_109, %ne3A_104 : i1
      %add3A_111 = arith.addi %rem3A_102, %select_n3A_101 : i32
      %select_n3A_112 = arith.select %and3A_110, %add3A_111, %rem3A_102 : i32
      %dma_wait3A_113 = arith.constant 0 : i32
      %dma_wait3A_114 = arith.constant 0 : i32
      %dma_wait3A_115 = arith.constant 0 : i32
      %dma_wait3A_116 = tpu.memref_slice %arg9[%select_n3A_112, %dma_wait3A_114, %dma_wait3A_115] : memref<2x128x128xf32, #tpu.memory_space<vmem>> -> memref<1x128x128xf32, #tpu.memory_space<vmem>>
      %dma_wait3A_117 = tpu.memref_squeeze %dma_wait3A_116 : memref<1x128x128xf32, #tpu.memory_space<vmem>> -> memref<128x128xf32, #tpu.memory_space<vmem>>
      %dma_wait3A_118 = arith.constant 0 : i32
      %dma_wait3A_119 = tpu.memref_slice %arg7[%dma_wait3A_113, %dma_wait3A_118] : memref<80x128xi32, #tpu.memory_space<vmem>> -> memref<1x128xi32, #tpu.memory_space<vmem>>
      %dma_wait3A_120 = tpu.memref_squeeze %dma_wait3A_119 : memref<1x128xi32, #tpu.memory_space<vmem>> -> memref<128xi32, #tpu.memory_space<vmem>>
      %dma_wait3A_121 = arith.constant 0 : i32
      %dma_wait3A_122 = arith.constant 0 : i32
      %dma_wait3A_123 = tpu.memref_slice %arg2[%dma_wait3A_121, %dma_wait3A_122] : memref<10000x128xf32, #tpu.memory_space<hbm>> -> memref<10000x128xf32, #tpu.memory_space<hbm>>
      tpu.wait_indirect_dma semaphore(%arg10 : memref<!tpu.dma_semaphore, #tpu.memory_space<semaphore_mem>>) src(%dma_wait3A_123 : memref<10000x128xf32, #tpu.memory_space<hbm>>) dst(%dma_wait3A_117 : memref<128x128xf32, #tpu.memory_space<vmem>>)
      %jit3A_124 = arith.constant 2 : i32
      %eq3A_125 = arith.constant 0 : i32
      %eq3A_126 = arith.cmpi eq, %jit3A_124, %eq3A_125 : i32
      %jit3A_127 = arith.constant 1 : i32
      %select_n3A_128 = arith.select %eq3A_126, %jit3A_127, %jit3A_124 : i32
      %rem3A_129 = arith.remsi %scan3A_35, %select_n3A_128 : i32
      %ne3A_130 = arith.constant 0 : i32
      %ne3A_131 = arith.cmpi ne, %rem3A_129, %ne3A_130 : i32
      %lt3A_132 = arith.constant 0 : i32
      %lt3A_133 = arith.cmpi slt, %rem3A_129, %lt3A_132 : i32
      %lt3A_134 = arith.constant 0 : i32
      %lt3A_135 = arith.cmpi slt, %select_n3A_128, %lt3A_134 : i32
      %ne3A_136 = arith.xori %lt3A_133, %lt3A_135 : i1
      %and3A_137 = arith.andi %ne3A_136, %ne3A_131 : i1
      %add3A_138 = arith.addi %rem3A_129, %select_n3A_128 : i32
      %select_n3A_139 = arith.select %and3A_137, %add3A_138, %rem3A_129 : i32
      %jit3A_140 = arith.constant 8 : i32
      %div3A_141 = arith.divsi %scan3A_35, %jit3A_140 : i32
      %sign3A_142 = arith.constant 0 : i32
      %sign3A_143 = arith.cmpi sgt, %scan3A_35, %sign3A_142 : i32
      %sign3A_144 = arith.extui %sign3A_143 : i1 to i32
      %sign3A_145 = arith.constant 0 : i32
      %sign3A_146 = arith.cmpi slt, %scan3A_35, %sign3A_145 : i32
      %sign3A_147 = arith.extui %sign3A_146 : i1 to i32
      %sign3A_148 = arith.subi %sign3A_144, %sign3A_147 : i32
      %sign3A_149 = arith.constant 0 : i32
      %sign3A_150 = arith.cmpi sgt, %jit3A_140, %sign3A_149 : i32
      %sign3A_151 = arith.extui %sign3A_150 : i1 to i32
      %sign3A_152 = arith.constant 0 : i32
      %sign3A_153 = arith.cmpi slt, %jit3A_140, %sign3A_152 : i32
      %sign3A_154 = arith.extui %sign3A_153 : i1 to i32
      %sign3A_155 = arith.subi %sign3A_151, %sign3A_154 : i32
      %ne3A_156 = arith.cmpi ne, %sign3A_148, %sign3A_155 : i32
      %rem3A_157 = arith.remsi %scan3A_35, %jit3A_140 : i32
      %ne3A_158 = arith.constant 0 : i32
      %ne3A_159 = arith.cmpi ne, %rem3A_157, %ne3A_158 : i32
      %and3A_160 = arith.andi %ne3A_156, %ne3A_159 : i1
      %sub3A_161 = arith.constant 1 : i32
      %sub3A_162 = arith.subi %div3A_141, %sub3A_161 : i32
      %select_n3A_163 = arith.select %and3A_160, %sub3A_162, %div3A_141 : i32
      %jit3A_164 = arith.constant 2 : i32
      %eq3A_165 = arith.constant 0 : i32
      %eq3A_166 = arith.cmpi eq, %jit3A_164, %eq3A_165 : i32
      %jit3A_167 = arith.constant 1 : i32
      %select_n3A_168 = arith.select %eq3A_166, %jit3A_167, %jit3A_164 : i32
      %rem3A_169 = arith.remsi %select_n3A_163, %select_n3A_168 : i32
      %ne3A_170 = arith.constant 0 : i32
      %ne3A_171 = arith.cmpi ne, %rem3A_169, %ne3A_170 : i32
      %lt3A_172 = arith.constant 0 : i32
      %lt3A_173 = arith.cmpi slt, %rem3A_169, %lt3A_172 : i32
      %lt3A_174 = arith.constant 0 : i32
      %lt3A_175 = arith.cmpi slt, %select_n3A_168, %lt3A_174 : i32
      %ne3A_176 = arith.xori %lt3A_173, %lt3A_175 : i1
      %and3A_177 = arith.andi %ne3A_176, %ne3A_171 : i1
      %add3A_178 = arith.addi %rem3A_169, %select_n3A_168 : i32
      %select_n3A_179 = arith.select %and3A_177, %add3A_178, %rem3A_169 : i32
      %jit3A_180 = arith.constant 8 : i32
      %eq3A_181 = arith.constant 0 : i32
      %eq3A_182 = arith.cmpi eq, %jit3A_180, %eq3A_181 : i32
      %jit3A_183 = arith.constant 1 : i32
      %select_n3A_184 = arith.select %eq3A_182, %jit3A_183, %jit3A_180 : i32
      %rem3A_185 = arith.remsi %scan3A_35, %select_n3A_184 : i32
      %ne3A_186 = arith.constant 0 : i32
      %ne3A_187 = arith.cmpi ne, %rem3A_185, %ne3A_186 : i32
      %lt3A_188 = arith.constant 0 : i32
      %lt3A_189 = arith.cmpi slt, %rem3A_185, %lt3A_188 : i32
      %lt3A_190 = arith.constant 0 : i32
      %lt3A_191 = arith.cmpi slt, %select_n3A_184, %lt3A_190 : i32
      %ne3A_192 = arith.xori %lt3A_189, %lt3A_191 : i1
      %and3A_193 = arith.andi %ne3A_192, %ne3A_187 : i1
      %add3A_194 = arith.addi %rem3A_185, %select_n3A_184 : i32
      %select_n3A_195 = arith.select %and3A_193, %add3A_194, %rem3A_185 : i32
      "tpu.region"() ({
        %run_scoped3A_196 = tpu.sem_alloc : memref<!tpu.dma_semaphore, #tpu.memory_space<semaphore_mem>>
        %dma_start3A_197 = arith.constant 0 : i32
        %dma_start3A_198 = arith.constant 0 : i32
        %dma_start3A_199 = tpu.memref_slice %arg9[%select_n3A_139, %dma_start3A_197, %dma_start3A_198] : memref<2x128x128xf32, #tpu.memory_space<vmem>> -> memref<1x128x128xf32, #tpu.memory_space<vmem>>
        %dma_start3A_200 = tpu.memref_squeeze %dma_start3A_199 : memref<1x128x128xf32, #tpu.memory_space<vmem>> -> memref<128x128xf32, #tpu.memory_space<vmem>>
        %dma_start3A_201 = arith.constant 0 : i32
        %dma_start3A_202 = tpu.memref_slice %arg8[%select_n3A_179, %select_n3A_195, %dma_start3A_201] : memref<2x8x128xi32, #tpu.memory_space<vmem>> -> memref<1x1x128xi32, #tpu.memory_space<vmem>>
        %dma_start3A_203 = tpu.memref_squeeze %dma_start3A_202 : memref<1x1x128xi32, #tpu.memory_space<vmem>> -> memref<128xi32, #tpu.memory_space<vmem>>
        %dma_start3A_204 = arith.constant 0 : i32
        %dma_start3A_205 = arith.constant 0 : i32
        %dma_start3A_206 = tpu.memref_slice %arg11[%dma_start3A_204, %dma_start3A_205] : memref<10112x128xf32, #tpu.memory_space<vmem_shared>> -> memref<10112x128xf32, #tpu.memory_space<vmem_shared>>
        tpu.enqueue_indirect_dma source(%dma_start3A_200 : memref<128x128xf32, #tpu.memory_space<vmem>>) target(%dma_start3A_206 : memref<10112x128xf32, #tpu.memory_space<vmem_shared>>) offsets(%dma_start3A_203 : memref<128xi32, #tpu.memory_space<vmem>>) semaphore(%run_scoped3A_196 : memref<!tpu.dma_semaphore, #tpu.memory_space<semaphore_mem>>) {add = true}
        %dma_wait3A_207 = arith.constant 0 : i32
        %dma_wait3A_208 = arith.constant 0 : i32
        %dma_wait3A_209 = tpu.memref_slice %arg9[%select_n3A_139, %dma_wait3A_207, %dma_wait3A_208] : memref<2x128x128xf32, #tpu.memory_space<vmem>> -> memref<1x128x128xf32, #tpu.memory_space<vmem>>
        %dma_wait3A_210 = tpu.memref_squeeze %dma_wait3A_209 : memref<1x128x128xf32, #tpu.memory_space<vmem>> -> memref<128x128xf32, #tpu.memory_space<vmem>>
        %dma_wait3A_211 = arith.constant 0 : i32
        %dma_wait3A_212 = tpu.memref_slice %arg8[%select_n3A_179, %select_n3A_195, %dma_wait3A_211] : memref<2x8x128xi32, #tpu.memory_space<vmem>> -> memref<1x1x128xi32, #tpu.memory_space<vmem>>
        %dma_wait3A_213 = tpu.memref_squeeze %dma_wait3A_212 : memref<1x1x128xi32, #tpu.memory_space<vmem>> -> memref<128xi32, #tpu.memory_space<vmem>>
        %dma_wait3A_214 = arith.constant 0 : i32
        %dma_wait3A_215 = arith.constant 0 : i32
        %dma_wait3A_216 = tpu.memref_slice %arg11[%dma_wait3A_214, %dma_wait3A_215] : memref<10112x128xf32, #tpu.memory_space<vmem_shared>> -> memref<10112x128xf32, #tpu.memory_space<vmem_shared>>
        tpu.wait_indirect_dma semaphore(%run_scoped3A_196 : memref<!tpu.dma_semaphore, #tpu.memory_space<semaphore_mem>>) src(%dma_wait3A_210 : memref<128x128xf32, #tpu.memory_space<vmem>>) dst(%dma_wait3A_216 : memref<10112x128xf32, #tpu.memory_space<vmem_shared>>)
        tpu.yield
      }) : () -> ()
    }
    %scan3A_19 = arith.constant 79 : i32
    %dma_wait3A = arith.constant 0 : i32
    %dma_wait3A_20 = arith.constant 1 : i32
    %dma_wait3A_21 = arith.constant 0 : i32
    %dma_wait3A_22 = arith.constant 0 : i32
    %dma_wait3A_23 = tpu.memref_slice %arg9[%dma_wait3A_20, %dma_wait3A_21, %dma_wait3A_22] : memref<2x128x128xf32, #tpu.memory_space<vmem>> -> memref<1x128x128xf32, #tpu.memory_space<vmem>>
    %dma_wait3A_24 = tpu.memref_squeeze %dma_wait3A_23 : memref<1x128x128xf32, #tpu.memory_space<vmem>> -> memref<128x128xf32, #tpu.memory_space<vmem>>
    %dma_wait3A_25 = arith.constant 0 : i32
    %dma_wait3A_26 = tpu.memref_slice %arg7[%dma_wait3A, %dma_wait3A_25] : memref<80x128xi32, #tpu.memory_space<vmem>> -> memref<1x128xi32, #tpu.memory_space<vmem>>
    %dma_wait3A_27 = tpu.memref_squeeze %dma_wait3A_26 : memref<1x128xi32, #tpu.memory_space<vmem>> -> memref<128xi32, #tpu.memory_space<vmem>>
    %dma_wait3A_28 = arith.constant 0 : i32
    %dma_wait3A_29 = arith.constant 0 : i32
    %dma_wait3A_30 = tpu.memref_slice %arg2[%dma_wait3A_28, %dma_wait3A_29] : memref<10000x128xf32, #tpu.memory_space<hbm>> -> memref<10000x128xf32, #tpu.memory_space<hbm>>
    tpu.wait_indirect_dma semaphore(%arg10 : memref<!tpu.dma_semaphore, #tpu.memory_space<semaphore_mem>>) src(%dma_wait3A_30 : memref<10000x128xf32, #tpu.memory_space<hbm>>) dst(%dma_wait3A_24 : memref<128x128xf32, #tpu.memory_space<vmem>>)
    %run_scoped3A_31 = arith.constant 1 : i32
    %run_scoped3A_32 = arith.constant 1 : i32
    %run_scoped3A_33 = arith.constant 7 : i32
    "tpu.region"() ({
      %run_scoped3A_35 = tpu.sem_alloc : memref<!tpu.dma_semaphore, #tpu.memory_space<semaphore_mem>>
      %dma_start3A_36 = arith.constant 0 : i32
      %dma_start3A_37 = arith.constant 0 : i32
      %dma_start3A_38 = tpu.memref_slice %arg9[%run_scoped3A_31, %dma_start3A_36, %dma_start3A_37] : memref<2x128x128xf32, #tpu.memory_space<vmem>> -> memref<1x128x128xf32, #tpu.memory_space<vmem>>
      %dma_start3A_39 = tpu.memref_squeeze %dma_start3A_38 : memref<1x128x128xf32, #tpu.memory_space<vmem>> -> memref<128x128xf32, #tpu.memory_space<vmem>>
      %dma_start3A_40 = arith.constant 0 : i32
      %dma_start3A_41 = tpu.memref_slice %arg8[%run_scoped3A_32, %run_scoped3A_33, %dma_start3A_40] : memref<2x8x128xi32, #tpu.memory_space<vmem>> -> memref<1x1x128xi32, #tpu.memory_space<vmem>>
      %dma_start3A_42 = tpu.memref_squeeze %dma_start3A_41 : memref<1x1x128xi32, #tpu.memory_space<vmem>> -> memref<128xi32, #tpu.memory_space<vmem>>
      %dma_start3A_43 = arith.constant 0 : i32
      %dma_start3A_44 = arith.constant 0 : i32
      %dma_start3A_45 = tpu.memref_slice %arg11[%dma_start3A_43, %dma_start3A_44] : memref<10112x128xf32, #tpu.memory_space<vmem_shared>> -> memref<10112x128xf32, #tpu.memory_space<vmem_shared>>
      tpu.enqueue_indirect_dma source(%dma_start3A_39 : memref<128x128xf32, #tpu.memory_space<vmem>>) target(%dma_start3A_45 : memref<10112x128xf32, #tpu.memory_space<vmem_shared>>) offsets(%dma_start3A_42 : memref<128xi32, #tpu.memory_space<vmem>>) semaphore(%run_scoped3A_35 : memref<!tpu.dma_semaphore, #tpu.memory_space<semaphore_mem>>) {add = true}
      %dma_wait3A_46 = arith.constant 0 : i32
      %dma_wait3A_47 = arith.constant 0 : i32
      %dma_wait3A_48 = tpu.memref_slice %arg9[%run_scoped3A_31, %dma_wait3A_46, %dma_wait3A_47] : memref<2x128x128xf32, #tpu.memory_space<vmem>> -> memref<1x128x128xf32, #tpu.memory_space<vmem>>
      %dma_wait3A_49 = tpu.memref_squeeze %dma_wait3A_48 : memref<1x128x128xf32, #tpu.memory_space<vmem>> -> memref<128x128xf32, #tpu.memory_space<vmem>>
      %dma_wait3A_50 = arith.constant 0 : i32
      %dma_wait3A_51 = tpu.memref_slice %arg8[%run_scoped3A_32, %run_scoped3A_33, %dma_wait3A_50] : memref<2x8x128xi32, #tpu.memory_space<vmem>> -> memref<1x1x128xi32, #tpu.memory_space<vmem>>
      %dma_wait3A_52 = tpu.memref_squeeze %dma_wait3A_51 : memref<1x1x128xi32, #tpu.memory_space<vmem>> -> memref<128xi32, #tpu.memory_space<vmem>>
      %dma_wait3A_53 = arith.constant 0 : i32
      %dma_wait3A_54 = arith.constant 0 : i32
      %dma_wait3A_55 = tpu.memref_slice %arg11[%dma_wait3A_53, %dma_wait3A_54] : memref<10112x128xf32, #tpu.memory_space<vmem_shared>> -> memref<10112x128xf32, #tpu.memory_space<vmem_shared>>
      tpu.wait_indirect_dma semaphore(%run_scoped3A_35 : memref<!tpu.dma_semaphore, #tpu.memory_space<semaphore_mem>>) src(%dma_wait3A_49 : memref<128x128xf32, #tpu.memory_space<vmem>>) dst(%dma_wait3A_55 : memref<10112x128xf32, #tpu.memory_space<vmem_shared>>)
      tpu.yield
    }) : () -> ()
    %barrier3A_34 = arith.constant 0 : index
    tpu.barrier barrier_id(%barrier3A_34)
    "tpu.region"() ({
      %run_scoped3A_35 = tpu.sem_alloc : memref<!tpu.dma_semaphore, #tpu.memory_space<semaphore_mem>>
      %dma_start3A_36 = arith.constant 0 : i32
      %dma_start3A_37 = tpu.memref_slice %arg6[%arg0, %mul3A_2, %dma_start3A_36] : memref<2x10112x128xf32, #tpu.memory_space<hbm>> -> memref<1x632x128xf32, #tpu.memory_space<hbm>>
      %dma_start3A_38 = tpu.memref_squeeze %dma_start3A_37 : memref<1x632x128xf32, #tpu.memory_space<hbm>> -> memref<632x128xf32, #tpu.memory_space<hbm>>
      %dma_start3A_39 = arith.constant 0 : i32
      %dma_start3A_40 = tpu.memref_slice %arg11[%mul3A_2, %dma_start3A_39] : memref<10112x128xf32, #tpu.memory_space<vmem_shared>> -> memref<632x128xf32, #tpu.memory_space<vmem_shared>>
      tpu.enqueue_dma source(%dma_start3A_40 : memref<632x128xf32, #tpu.memory_space<vmem_shared>>) target(%dma_start3A_38 : memref<632x128xf32, #tpu.memory_space<hbm>>) target_semaphore(%run_scoped3A_35 : memref<!tpu.dma_semaphore, #tpu.memory_space<semaphore_mem>>)
      %dma_wait3A_41 = arith.constant 0 : i32
      %dma_wait3A_42 = tpu.memref_slice %arg6[%arg0, %mul3A_2, %dma_wait3A_41] : memref<2x10112x128xf32, #tpu.memory_space<hbm>> -> memref<1x632x128xf32, #tpu.memory_space<hbm>>
      %dma_wait3A_43 = tpu.memref_squeeze %dma_wait3A_42 : memref<1x632x128xf32, #tpu.memory_space<hbm>> -> memref<632x128xf32, #tpu.memory_space<hbm>>
      %dma_wait3A_44 = arith.constant 0 : i32
      %dma_wait3A_45 = tpu.memref_slice %arg11[%mul3A_2, %dma_wait3A_44] : memref<10112x128xf32, #tpu.memory_space<vmem_shared>> -> memref<632x128xf32, #tpu.memory_space<vmem_shared>>
      tpu.wait_dma2 semaphore(%run_scoped3A_35 : memref<!tpu.dma_semaphore, #tpu.memory_space<semaphore_mem>>) src(%dma_wait3A_45 : memref<632x128xf32, #tpu.memory_space<vmem_shared>>) dst(%dma_wait3A_43 : memref<632x128xf32, #tpu.memory_space<hbm>>)
      tpu.yield
    }) : () -> ()
    return
  }
}

#map = affine_map<(d0, d1) -> (0, 0)>
#map1 = affine_map<(d0, d1) -> (0, 0, 0)>
#map2 = affine_map<(d0, d1) -> (0, 0, 0, 0)>
module attributes {stable_mosaic.version = 14 : i64} {
  func.func @_sc_msg_body(%arg0: i32, %arg1: i32, %arg2: memref<10000x128xf32, #tpu.memory_space<hbm>>, %arg3: memref<32x80x128xi32, #tpu.memory_space<hbm>>, %arg4: memref<32x10x8x128xi32, #tpu.memory_space<hbm>>, %arg5: memref<632x128xf32, #tpu.memory_space<hbm>>, %arg6: memref<2x10112x128xf32, #tpu.memory_space<hbm>>, %arg7: memref<80x128xi32, #tpu.memory_space<vmem>>, %arg8: memref<2x8x128xi32, #tpu.memory_space<vmem>>, %arg9: memref<2x128x128xf32, #tpu.memory_space<vmem>>, %arg10: memref<!tpu.dma_semaphore, #tpu.memory_space<semaphore_mem>>, %arg11: memref<10112x128xf32, #tpu.memory_space<vmem_shared>>) attributes {dimension_semantics = [#tpu.dimension_semantics<core_parallel>, #tpu.dimension_semantics<subcore_parallel>], iteration_bounds = array<i64: 2, 16>, scalar_prefetch = 0 : i64, scratch_operands = 5 : i64, tpu.core_type = #tpu.core_type<sc_vector_subcore>, window_params = [{transform_indices = #map}, {transform_indices = #map1}, {transform_indices = #map2}, {transform_indices = #map}, {transform_indices = #map1}]} {
    %mul3A = arith.constant 16 : i32
    %mul3A_0 = arith.muli %arg0, %mul3A : i32
    %add3A = arith.addi %mul3A_0, %arg1 : i32
    %mul3A_1 = arith.constant 632 : i32
    %mul3A_2 = arith.muli %arg1, %mul3A_1 : i32
    "tpu.region"() ({
      %run_scoped3A_35 = tpu.sem_alloc : memref<!tpu.dma_semaphore, #tpu.memory_space<semaphore_mem>>
      %dma_start3A_36 = arith.constant 0 : i32
      %dma_start3A_37 = tpu.memref_slice %arg11[%mul3A_2, %dma_start3A_36] : memref<10112x128xf32, #tpu.memory_space<vmem_shared>> -> memref<632x128xf32, #tpu.memory_space<vmem_shared>>
      tpu.enqueue_dma source(%arg5 : memref<632x128xf32, #tpu.memory_space<hbm>>) target(%dma_start3A_37 : memref<632x128xf32, #tpu.memory_space<vmem_shared>>) target_semaphore(%run_scoped3A_35 : memref<!tpu.dma_semaphore, #tpu.memory_space<semaphore_mem>>)
      %dma_wait3A_38 = arith.constant 0 : i32
      %dma_wait3A_39 = tpu.memref_slice %arg11[%mul3A_2, %dma_wait3A_38] : memref<10112x128xf32, #tpu.memory_space<vmem_shared>> -> memref<632x128xf32, #tpu.memory_space<vmem_shared>>
      tpu.wait_dma2 semaphore(%run_scoped3A_35 : memref<!tpu.dma_semaphore, #tpu.memory_space<semaphore_mem>>) src(%arg5 : memref<632x128xf32, #tpu.memory_space<hbm>>) dst(%dma_wait3A_39 : memref<632x128xf32, #tpu.memory_space<vmem_shared>>)
      tpu.yield
    }) : () -> ()
    "tpu.region"() ({
      %run_scoped3A_35 = tpu.sem_alloc : memref<!tpu.dma_semaphore, #tpu.memory_space<semaphore_mem>>
      %dma_start3A_36 = arith.constant 0 : i32
      %dma_start3A_37 = arith.constant 0 : i32
      %dma_start3A_38 = tpu.memref_slice %arg3[%add3A, %dma_start3A_36, %dma_start3A_37] : memref<32x80x128xi32, #tpu.memory_space<hbm>> -> memref<1x80x128xi32, #tpu.memory_space<hbm>>
      %dma_start3A_39 = tpu.memref_squeeze %dma_start3A_38 : memref<1x80x128xi32, #tpu.memory_space<hbm>> -> memref<80x128xi32, #tpu.memory_space<hbm>>
      %dma_start3A_40 = arith.constant 0 : i32
      %dma_start3A_41 = arith.constant 0 : i32
      %dma_start3A_42 = tpu.memref_slice %arg3[%add3A, %dma_start3A_40, %dma_start3A_41] : memref<32x80x128xi32, #tpu.memory_space<hbm>> -> memref<1x80x128xi32, #tpu.memory_space<hbm>>
      %dma_start3A_43 = tpu.memref_squeeze %dma_start3A_42 : memref<1x80x128xi32, #tpu.memory_space<hbm>> -> memref<80x128xi32, #tpu.memory_space<hbm>>
      tpu.enqueue_dma source(%dma_start3A_43 : memref<80x128xi32, #tpu.memory_space<hbm>>) target(%arg7 : memref<80x128xi32, #tpu.memory_space<vmem>>) target_semaphore(%run_scoped3A_35 : memref<!tpu.dma_semaphore, #tpu.memory_space<semaphore_mem>>)
      %dma_wait3A_44 = arith.constant 0 : i32
      %dma_wait3A_45 = arith.constant 0 : i32
      %dma_wait3A_46 = tpu.memref_slice %arg3[%add3A, %dma_wait3A_44, %dma_wait3A_45] : memref<32x80x128xi32, #tpu.memory_space<hbm>> -> memref<1x80x128xi32, #tpu.memory_space<hbm>>
      %dma_wait3A_47 = tpu.memref_squeeze %dma_wait3A_46 : memref<1x80x128xi32, #tpu.memory_space<hbm>> -> memref<80x128xi32, #tpu.memory_space<hbm>>
      %dma_wait3A_48 = arith.constant 0 : i32
      %dma_wait3A_49 = arith.constant 0 : i32
      %dma_wait3A_50 = tpu.memref_slice %arg3[%add3A, %dma_wait3A_48, %dma_wait3A_49] : memref<32x80x128xi32, #tpu.memory_space<hbm>> -> memref<1x80x128xi32, #tpu.memory_space<hbm>>
      %dma_wait3A_51 = tpu.memref_squeeze %dma_wait3A_50 : memref<1x80x128xi32, #tpu.memory_space<hbm>> -> memref<80x128xi32, #tpu.memory_space<hbm>>
      tpu.wait_dma2 semaphore(%run_scoped3A_35 : memref<!tpu.dma_semaphore, #tpu.memory_space<semaphore_mem>>) src(%dma_wait3A_51 : memref<80x128xi32, #tpu.memory_space<hbm>>) dst(%arg7 : memref<80x128xi32, #tpu.memory_space<vmem>>)
      tpu.yield
    }) : () -> ()
    %run_scoped3A = arith.constant 0 : i32
    %run_scoped3A_3 = arith.constant 0 : i32
    "tpu.region"() ({
      %run_scoped3A_35 = tpu.sem_alloc : memref<!tpu.dma_semaphore, #tpu.memory_space<semaphore_mem>>
      %dma_start3A_36 = arith.constant 0 : i32
      %dma_start3A_37 = arith.constant 0 : i32
      %dma_start3A_38 = tpu.memref_slice %arg8[%run_scoped3A_3, %dma_start3A_36, %dma_start3A_37] : memref<2x8x128xi32, #tpu.memory_space<vmem>> -> memref<1x8x128xi32, #tpu.memory_space<vmem>>
      %dma_start3A_39 = tpu.memref_squeeze %dma_start3A_38 : memref<1x8x128xi32, #tpu.memory_space<vmem>> -> memref<8x128xi32, #tpu.memory_space<vmem>>
      %dma_start3A_40 = arith.constant 0 : i32
      %dma_start3A_41 = arith.constant 0 : i32
      %dma_start3A_42 = tpu.memref_slice %arg4[%add3A, %run_scoped3A, %dma_start3A_40, %dma_start3A_41] : memref<32x10x8x128xi32, #tpu.memory_space<hbm>> -> memref<1x1x8x128xi32, #tpu.memory_space<hbm>>
      %dma_start3A_43 = tpu.memref_squeeze %dma_start3A_42 : memref<1x1x8x128xi32, #tpu.memory_space<hbm>> -> memref<8x128xi32, #tpu.memory_space<hbm>>
      %dma_start3A_44 = arith.constant 0 : i32
      %dma_start3A_45 = arith.constant 0 : i32
      %dma_start3A_46 = tpu.memref_slice %arg8[%run_scoped3A_3, %dma_start3A_44, %dma_start3A_45] : memref<2x8x128xi32, #tpu.memory_space<vmem>> -> memref<1x8x128xi32, #tpu.memory_space<vmem>>
      %dma_start3A_47 = tpu.memref_squeeze %dma_start3A_46 : memref<1x8x128xi32, #tpu.memory_space<vmem>> -> memref<8x128xi32, #tpu.memory_space<vmem>>
      %dma_start3A_48 = arith.constant 0 : i32
      %dma_start3A_49 = arith.constant 0 : i32
      %dma_start3A_50 = tpu.memref_slice %arg4[%add3A, %run_scoped3A, %dma_start3A_48, %dma_start3A_49] : memref<32x10x8x128xi32, #tpu.memory_space<hbm>> -> memref<1x1x8x128xi32, #tpu.memory_space<hbm>>
      %dma_start3A_51 = tpu.memref_squeeze %dma_start3A_50 : memref<1x1x8x128xi32, #tpu.memory_space<hbm>> -> memref<8x128xi32, #tpu.memory_space<hbm>>
      tpu.enqueue_dma source(%dma_start3A_51 : memref<8x128xi32, #tpu.memory_space<hbm>>) target(%dma_start3A_47 : memref<8x128xi32, #tpu.memory_space<vmem>>) target_semaphore(%run_scoped3A_35 : memref<!tpu.dma_semaphore, #tpu.memory_space<semaphore_mem>>)
      %dma_wait3A_52 = arith.constant 0 : i32
      %dma_wait3A_53 = arith.constant 0 : i32
      %dma_wait3A_54 = tpu.memref_slice %arg8[%run_scoped3A_3, %dma_wait3A_52, %dma_wait3A_53] : memref<2x8x128xi32, #tpu.memory_space<vmem>> -> memref<1x8x128xi32, #tpu.memory_space<vmem>>
      %dma_wait3A_55 = tpu.memref_squeeze %dma_wait3A_54 : memref<1x8x128xi32, #tpu.memory_space<vmem>> -> memref<8x128xi32, #tpu.memory_space<vmem>>
      %dma_wait3A_56 = arith.constant 0 : i32
      %dma_wait3A_57 = arith.constant 0 : i32
      %dma_wait3A_58 = tpu.memref_slice %arg4[%add3A, %run_scoped3A, %dma_wait3A_56, %dma_wait3A_57] : memref<32x10x8x128xi32, #tpu.memory_space<hbm>> -> memref<1x1x8x128xi32, #tpu.memory_space<hbm>>
      %dma_wait3A_59 = tpu.memref_squeeze %dma_wait3A_58 : memref<1x1x8x128xi32, #tpu.memory_space<hbm>> -> memref<8x128xi32, #tpu.memory_space<hbm>>
      %dma_wait3A_60 = arith.constant 0 : i32
      %dma_wait3A_61 = arith.constant 0 : i32
      %dma_wait3A_62 = tpu.memref_slice %arg8[%run_scoped3A_3, %dma_wait3A_60, %dma_wait3A_61] : memref<2x8x128xi32, #tpu.memory_space<vmem>> -> memref<1x8x128xi32, #tpu.memory_space<vmem>>
      %dma_wait3A_63 = tpu.memref_squeeze %dma_wait3A_62 : memref<1x8x128xi32, #tpu.memory_space<vmem>> -> memref<8x128xi32, #tpu.memory_space<vmem>>
      %dma_wait3A_64 = arith.constant 0 : i32
      %dma_wait3A_65 = arith.constant 0 : i32
      %dma_wait3A_66 = tpu.memref_slice %arg4[%add3A, %run_scoped3A, %dma_wait3A_64, %dma_wait3A_65] : memref<32x10x8x128xi32, #tpu.memory_space<hbm>> -> memref<1x1x8x128xi32, #tpu.memory_space<hbm>>
      %dma_wait3A_67 = tpu.memref_squeeze %dma_wait3A_66 : memref<1x1x8x128xi32, #tpu.memory_space<hbm>> -> memref<8x128xi32, #tpu.memory_space<hbm>>
      tpu.wait_dma2 semaphore(%run_scoped3A_35 : memref<!tpu.dma_semaphore, #tpu.memory_space<semaphore_mem>>) src(%dma_wait3A_67 : memref<8x128xi32, #tpu.memory_space<hbm>>) dst(%dma_wait3A_63 : memref<8x128xi32, #tpu.memory_space<vmem>>)
      tpu.yield
    }) : () -> ()
    %barrier3A = arith.constant 0 : index
    tpu.barrier barrier_id(%barrier3A)
    %dma_start3A = arith.constant 0 : i32
    %dma_start3A_4 = arith.constant 0 : i32
    %dma_start3A_5 = arith.constant 0 : i32
    %dma_start3A_6 = arith.constant 0 : i32
    %dma_start3A_7 = tpu.memref_slice %arg9[%dma_start3A_4, %dma_start3A_5, %dma_start3A_6] : memref<2x128x128xf32, #tpu.memory_space<vmem>> -> memref<1x128x128xf32, #tpu.memory_space<vmem>>
    %dma_start3A_8 = tpu.memref_squeeze %dma_start3A_7 : memref<1x128x128xf32, #tpu.memory_space<vmem>> -> memref<128x128xf32, #tpu.memory_space<vmem>>
    %dma_start3A_9 = arith.constant 0 : i32
    %dma_start3A_10 = tpu.memref_slice %arg7[%dma_start3A, %dma_start3A_9] : memref<80x128xi32, #tpu.memory_space<vmem>> -> memref<1x128xi32, #tpu.memory_space<vmem>>
    %dma_start3A_11 = tpu.memref_squeeze %dma_start3A_10 : memref<1x128xi32, #tpu.memory_space<vmem>> -> memref<128xi32, #tpu.memory_space<vmem>>
    %dma_start3A_12 = arith.constant 0 : i32
    %dma_start3A_13 = arith.constant 0 : i32
    %dma_start3A_14 = tpu.memref_slice %arg2[%dma_start3A_12, %dma_start3A_13] : memref<10000x128xf32, #tpu.memory_space<hbm>> -> memref<10000x128xf32, #tpu.memory_space<hbm>>
    tpu.enqueue_indirect_dma source(%dma_start3A_14 : memref<10000x128xf32, #tpu.memory_space<hbm>>) target(%dma_start3A_8 : memref<128x128xf32, #tpu.memory_space<vmem>>) offsets(%dma_start3A_11 : memref<128xi32, #tpu.memory_space<vmem>>) semaphore(%arg10 : memref<!tpu.dma_semaphore, #tpu.memory_space<semaphore_mem>>)
    %scan3A = arith.constant 0 : i32
    %scan3A_15 = arith.constant 0 : i32
    %scan3A_16 = arith.constant 79 : i32
    %scan3A_17 = arith.addi %scan3A_15, %scan3A_16 : i32
    %scan3A_18 = arith.constant 1 : i32
    scf.for %scan3A_35 = %scan3A_15 to %scan3A_17 step %scan3A_18  : i32 {
      %add3A_36 = arith.constant 1 : i32
      %add3A_37 = arith.addi %scan3A_35, %add3A_36 : i32
      %jit3A = arith.constant 8 : i32
      %div3A = arith.divsi %add3A_37, %jit3A : i32
      %sign3A = arith.constant 0 : i32
      %sign3A_38 = arith.cmpi sgt, %add3A_37, %sign3A : i32
      %sign3A_39 = arith.extui %sign3A_38 : i1 to i32
      %sign3A_40 = arith.constant 0 : i32
      %sign3A_41 = arith.cmpi slt, %add3A_37, %sign3A_40 : i32
      %sign3A_42 = arith.extui %sign3A_41 : i1 to i32
      %sign3A_43 = arith.subi %sign3A_39, %sign3A_42 : i32
      %sign3A_44 = arith.constant 0 : i32
      %sign3A_45 = arith.cmpi sgt, %jit3A, %sign3A_44 : i32
      %sign3A_46 = arith.extui %sign3A_45 : i1 to i32
      %sign3A_47 = arith.constant 0 : i32
      %sign3A_48 = arith.cmpi slt, %jit3A, %sign3A_47 : i32
      %sign3A_49 = arith.extui %sign3A_48 : i1 to i32
      %sign3A_50 = arith.subi %sign3A_46, %sign3A_49 : i32
      %ne3A = arith.cmpi ne, %sign3A_43, %sign3A_50 : i32
      %rem3A = arith.remsi %add3A_37, %jit3A : i32
      %ne3A_51 = arith.constant 0 : i32
      %ne3A_52 = arith.cmpi ne, %rem3A, %ne3A_51 : i32
      %and3A = arith.andi %ne3A, %ne3A_52 : i1
      %sub3A = arith.constant 1 : i32
      %sub3A_53 = arith.subi %div3A, %sub3A : i32
      %select_n3A = arith.select %and3A, %sub3A_53, %div3A : i32
      %jit3A_54 = arith.constant 8 : i32
      %eq3A = arith.constant 0 : i32
      %eq3A_55 = arith.cmpi eq, %jit3A_54, %eq3A : i32
      %jit3A_56 = arith.constant 1 : i32
      %select_n3A_57 = arith.select %eq3A_55, %jit3A_56, %jit3A_54 : i32
      %rem3A_58 = arith.remsi %add3A_37, %select_n3A_57 : i32
      %ne3A_59 = arith.constant 0 : i32
      %ne3A_60 = arith.cmpi ne, %rem3A_58, %ne3A_59 : i32
      %lt3A = arith.constant 0 : i32
      %lt3A_61 = arith.cmpi slt, %rem3A_58, %lt3A : i32
      %lt3A_62 = arith.constant 0 : i32
      %lt3A_63 = arith.cmpi slt, %select_n3A_57, %lt3A_62 : i32
      %ne3A_64 = arith.xori %lt3A_61, %lt3A_63 : i1
      %and3A_65 = arith.andi %ne3A_64, %ne3A_60 : i1
      %add3A_66 = arith.addi %rem3A_58, %select_n3A_57 : i32
      %select_n3A_67 = arith.select %and3A_65, %add3A_66, %rem3A_58 : i32
      %eq3A_68 = arith.constant 0 : i32
      %eq3A_69 = arith.cmpi eq, %select_n3A_67, %eq3A_68 : i32
      %convert_element_type3A = arith.extui %eq3A_69 : i1 to i32
      %cond3A = arith.constant 0 : i32
      %cond3A_70 = arith.cmpi ne, %convert_element_type3A, %cond3A : i32
      scf.if %cond3A_70 {
        %jit3A_196 = arith.constant 2 : i32
        %eq3A_197 = arith.constant 0 : i32
        %eq3A_198 = arith.cmpi eq, %jit3A_196, %eq3A_197 : i32
        %jit3A_199 = arith.constant 1 : i32
        %select_n3A_200 = arith.select %eq3A_198, %jit3A_199, %jit3A_196 : i32
        %rem3A_201 = arith.remsi %select_n3A, %select_n3A_200 : i32
        %ne3A_202 = arith.constant 0 : i32
        %ne3A_203 = arith.cmpi ne, %rem3A_201, %ne3A_202 : i32
        %lt3A_204 = arith.constant 0 : i32
        %lt3A_205 = arith.cmpi slt, %rem3A_201, %lt3A_204 : i32
        %lt3A_206 = arith.constant 0 : i32
        %lt3A_207 = arith.cmpi slt, %select_n3A_200, %lt3A_206 : i32
        %ne3A_208 = arith.xori %lt3A_205, %lt3A_207 : i1
        %and3A_209 = arith.andi %ne3A_208, %ne3A_203 : i1
        %add3A_210 = arith.addi %rem3A_201, %select_n3A_200 : i32
        %select_n3A_211 = arith.select %and3A_209, %add3A_210, %rem3A_201 : i32
        "tpu.region"() ({
          %run_scoped3A_212 = tpu.sem_alloc : memref<!tpu.dma_semaphore, #tpu.memory_space<semaphore_mem>>
          %dma_start3A_213 = arith.constant 0 : i32
          %dma_start3A_214 = arith.constant 0 : i32
          %dma_start3A_215 = tpu.memref_slice %arg8[%select_n3A_211, %dma_start3A_213, %dma_start3A_214] : memref<2x8x128xi32, #tpu.memory_space<vmem>> -> memref<1x8x128xi32, #tpu.memory_space<vmem>>
          %dma_start3A_216 = tpu.memref_squeeze %dma_start3A_215 : memref<1x8x128xi32, #tpu.memory_space<vmem>> -> memref<8x128xi32, #tpu.memory_space<vmem>>
          %dma_start3A_217 = arith.constant 0 : i32
          %dma_start3A_218 = arith.constant 0 : i32
          %dma_start3A_219 = tpu.memref_slice %arg4[%add3A, %select_n3A, %dma_start3A_217, %dma_start3A_218] : memref<32x10x8x128xi32, #tpu.memory_space<hbm>> -> memref<1x1x8x128xi32, #tpu.memory_space<hbm>>
          %dma_start3A_220 = tpu.memref_squeeze %dma_start3A_219 : memref<1x1x8x128xi32, #tpu.memory_space<hbm>> -> memref<8x128xi32, #tpu.memory_space<hbm>>
          %dma_start3A_221 = arith.constant 0 : i32
          %dma_start3A_222 = arith.constant 0 : i32
          %dma_start3A_223 = tpu.memref_slice %arg8[%select_n3A_211, %dma_start3A_221, %dma_start3A_222] : memref<2x8x128xi32, #tpu.memory_space<vmem>> -> memref<1x8x128xi32, #tpu.memory_space<vmem>>
          %dma_start3A_224 = tpu.memref_squeeze %dma_start3A_223 : memref<1x8x128xi32, #tpu.memory_space<vmem>> -> memref<8x128xi32, #tpu.memory_space<vmem>>
          %dma_start3A_225 = arith.constant 0 : i32
          %dma_start3A_226 = arith.constant 0 : i32
          %dma_start3A_227 = tpu.memref_slice %arg4[%add3A, %select_n3A, %dma_start3A_225, %dma_start3A_226] : memref<32x10x8x128xi32, #tpu.memory_space<hbm>> -> memref<1x1x8x128xi32, #tpu.memory_space<hbm>>
          %dma_start3A_228 = tpu.memref_squeeze %dma_start3A_227 : memref<1x1x8x128xi32, #tpu.memory_space<hbm>> -> memref<8x128xi32, #tpu.memory_space<hbm>>
          tpu.enqueue_dma source(%dma_start3A_228 : memref<8x128xi32, #tpu.memory_space<hbm>>) target(%dma_start3A_224 : memref<8x128xi32, #tpu.memory_space<vmem>>) target_semaphore(%run_scoped3A_212 : memref<!tpu.dma_semaphore, #tpu.memory_space<semaphore_mem>>)
          %dma_wait3A_229 = arith.constant 0 : i32
          %dma_wait3A_230 = arith.constant 0 : i32
          %dma_wait3A_231 = tpu.memref_slice %arg8[%select_n3A_211, %dma_wait3A_229, %dma_wait3A_230] : memref<2x8x128xi32, #tpu.memory_space<vmem>> -> memref<1x8x128xi32, #tpu.memory_space<vmem>>
          %dma_wait3A_232 = tpu.memref_squeeze %dma_wait3A_231 : memref<1x8x128xi32, #tpu.memory_space<vmem>> -> memref<8x128xi32, #tpu.memory_space<vmem>>
          %dma_wait3A_233 = arith.constant 0 : i32
          %dma_wait3A_234 = arith.constant 0 : i32
          %dma_wait3A_235 = tpu.memref_slice %arg4[%add3A, %select_n3A, %dma_wait3A_233, %dma_wait3A_234] : memref<32x10x8x128xi32, #tpu.memory_space<hbm>> -> memref<1x1x8x128xi32, #tpu.memory_space<hbm>>
          %dma_wait3A_236 = tpu.memref_squeeze %dma_wait3A_235 : memref<1x1x8x128xi32, #tpu.memory_space<hbm>> -> memref<8x128xi32, #tpu.memory_space<hbm>>
          %dma_wait3A_237 = arith.constant 0 : i32
          %dma_wait3A_238 = arith.constant 0 : i32
          %dma_wait3A_239 = tpu.memref_slice %arg8[%select_n3A_211, %dma_wait3A_237, %dma_wait3A_238] : memref<2x8x128xi32, #tpu.memory_space<vmem>> -> memref<1x8x128xi32, #tpu.memory_space<vmem>>
          %dma_wait3A_240 = tpu.memref_squeeze %dma_wait3A_239 : memref<1x8x128xi32, #tpu.memory_space<vmem>> -> memref<8x128xi32, #tpu.memory_space<vmem>>
          %dma_wait3A_241 = arith.constant 0 : i32
          %dma_wait3A_242 = arith.constant 0 : i32
          %dma_wait3A_243 = tpu.memref_slice %arg4[%add3A, %select_n3A, %dma_wait3A_241, %dma_wait3A_242] : memref<32x10x8x128xi32, #tpu.memory_space<hbm>> -> memref<1x1x8x128xi32, #tpu.memory_space<hbm>>
          %dma_wait3A_244 = tpu.memref_squeeze %dma_wait3A_243 : memref<1x1x8x128xi32, #tpu.memory_space<hbm>> -> memref<8x128xi32, #tpu.memory_space<hbm>>
          tpu.wait_dma2 semaphore(%run_scoped3A_212 : memref<!tpu.dma_semaphore, #tpu.memory_space<semaphore_mem>>) src(%dma_wait3A_244 : memref<8x128xi32, #tpu.memory_space<hbm>>) dst(%dma_wait3A_240 : memref<8x128xi32, #tpu.memory_space<vmem>>)
          tpu.yield
        }) : () -> ()
      } else {
      }
      %jit3A_71 = arith.constant 2 : i32
      %eq3A_72 = arith.constant 0 : i32
      %eq3A_73 = arith.cmpi eq, %jit3A_71, %eq3A_72 : i32
      %jit3A_74 = arith.constant 1 : i32
      %select_n3A_75 = arith.select %eq3A_73, %jit3A_74, %jit3A_71 : i32
      %rem3A_76 = arith.remsi %add3A_37, %select_n3A_75 : i32
      %ne3A_77 = arith.constant 0 : i32
      %ne3A_78 = arith.cmpi ne, %rem3A_76, %ne3A_77 : i32
      %lt3A_79 = arith.constant 0 : i32
      %lt3A_80 = arith.cmpi slt, %rem3A_76, %lt3A_79 : i32
      %lt3A_81 = arith.constant 0 : i32
      %lt3A_82 = arith.cmpi slt, %select_n3A_75, %lt3A_81 : i32
      %ne3A_83 = arith.xori %lt3A_80, %lt3A_82 : i1
      %and3A_84 = arith.andi %ne3A_83, %ne3A_78 : i1
      %add3A_85 = arith.addi %rem3A_76, %select_n3A_75 : i32
      %select_n3A_86 = arith.select %and3A_84, %add3A_85, %rem3A_76 : i32
      %dma_start3A_87 = arith.constant 0 : i32
      %dma_start3A_88 = arith.constant 0 : i32
      %dma_start3A_89 = tpu.memref_slice %arg9[%select_n3A_86, %dma_start3A_87, %dma_start3A_88] : memref<2x128x128xf32, #tpu.memory_space<vmem>> -> memref<1x128x128xf32, #tpu.memory_space<vmem>>
      %dma_start3A_90 = tpu.memref_squeeze %dma_start3A_89 : memref<1x128x128xf32, #tpu.memory_space<vmem>> -> memref<128x128xf32, #tpu.memory_space<vmem>>
      %dma_start3A_91 = arith.constant 0 : i32
      %dma_start3A_92 = tpu.memref_slice %arg7[%add3A_37, %dma_start3A_91] : memref<80x128xi32, #tpu.memory_space<vmem>> -> memref<1x128xi32, #tpu.memory_space<vmem>>
      %dma_start3A_93 = tpu.memref_squeeze %dma_start3A_92 : memref<1x128xi32, #tpu.memory_space<vmem>> -> memref<128xi32, #tpu.memory_space<vmem>>
      %dma_start3A_94 = arith.constant 0 : i32
      %dma_start3A_95 = arith.constant 0 : i32
      %dma_start3A_96 = tpu.memref_slice %arg2[%dma_start3A_94, %dma_start3A_95] : memref<10000x128xf32, #tpu.memory_space<hbm>> -> memref<10000x128xf32, #tpu.memory_space<hbm>>
      tpu.enqueue_indirect_dma source(%dma_start3A_96 : memref<10000x128xf32, #tpu.memory_space<hbm>>) target(%dma_start3A_90 : memref<128x128xf32, #tpu.memory_space<vmem>>) offsets(%dma_start3A_93 : memref<128xi32, #tpu.memory_space<vmem>>) semaphore(%arg10 : memref<!tpu.dma_semaphore, #tpu.memory_space<semaphore_mem>>)
      %jit3A_97 = arith.constant 2 : i32
      %eq3A_98 = arith.constant 0 : i32
      %eq3A_99 = arith.cmpi eq, %jit3A_97, %eq3A_98 : i32
      %jit3A_100 = arith.constant 1 : i32
      %select_n3A_101 = arith.select %eq3A_99, %jit3A_100, %jit3A_97 : i32
      %rem3A_102 = arith.remsi %scan3A_35, %select_n3A_101 : i32
      %ne3A_103 = arith.constant 0 : i32
      %ne3A_104 = arith.cmpi ne, %rem3A_102, %ne3A_103 : i32
      %lt3A_105 = arith.constant 0 : i32
      %lt3A_106 = arith.cmpi slt, %rem3A_102, %lt3A_105 : i32
      %lt3A_107 = arith.constant 0 : i32
      %lt3A_108 = arith.cmpi slt, %select_n3A_101, %lt3A_107 : i32
      %ne3A_109 = arith.xori %lt3A_106, %lt3A_108 : i1
      %and3A_110 = arith.andi %ne3A_109, %ne3A_104 : i1
      %add3A_111 = arith.addi %rem3A_102, %select_n3A_101 : i32
      %select_n3A_112 = arith.select %and3A_110, %add3A_111, %rem3A_102 : i32
      %dma_wait3A_113 = arith.constant 0 : i32
      %dma_wait3A_114 = arith.constant 0 : i32
      %dma_wait3A_115 = arith.constant 0 : i32
      %dma_wait3A_116 = tpu.memref_slice %arg9[%select_n3A_112, %dma_wait3A_114, %dma_wait3A_115] : memref<2x128x128xf32, #tpu.memory_space<vmem>> -> memref<1x128x128xf32, #tpu.memory_space<vmem>>
      %dma_wait3A_117 = tpu.memref_squeeze %dma_wait3A_116 : memref<1x128x128xf32, #tpu.memory_space<vmem>> -> memref<128x128xf32, #tpu.memory_space<vmem>>
      %dma_wait3A_118 = arith.constant 0 : i32
      %dma_wait3A_119 = tpu.memref_slice %arg7[%dma_wait3A_113, %dma_wait3A_118] : memref<80x128xi32, #tpu.memory_space<vmem>> -> memref<1x128xi32, #tpu.memory_space<vmem>>
      %dma_wait3A_120 = tpu.memref_squeeze %dma_wait3A_119 : memref<1x128xi32, #tpu.memory_space<vmem>> -> memref<128xi32, #tpu.memory_space<vmem>>
      %dma_wait3A_121 = arith.constant 0 : i32
      %dma_wait3A_122 = arith.constant 0 : i32
      %dma_wait3A_123 = tpu.memref_slice %arg2[%dma_wait3A_121, %dma_wait3A_122] : memref<10000x128xf32, #tpu.memory_space<hbm>> -> memref<10000x128xf32, #tpu.memory_space<hbm>>
      tpu.wait_indirect_dma semaphore(%arg10 : memref<!tpu.dma_semaphore, #tpu.memory_space<semaphore_mem>>) src(%dma_wait3A_123 : memref<10000x128xf32, #tpu.memory_space<hbm>>) dst(%dma_wait3A_117 : memref<128x128xf32, #tpu.memory_space<vmem>>)
      %jit3A_124 = arith.constant 2 : i32
      %eq3A_125 = arith.constant 0 : i32
      %eq3A_126 = arith.cmpi eq, %jit3A_124, %eq3A_125 : i32
      %jit3A_127 = arith.constant 1 : i32
      %select_n3A_128 = arith.select %eq3A_126, %jit3A_127, %jit3A_124 : i32
      %rem3A_129 = arith.remsi %scan3A_35, %select_n3A_128 : i32
      %ne3A_130 = arith.constant 0 : i32
      %ne3A_131 = arith.cmpi ne, %rem3A_129, %ne3A_130 : i32
      %lt3A_132 = arith.constant 0 : i32
      %lt3A_133 = arith.cmpi slt, %rem3A_129, %lt3A_132 : i32
      %lt3A_134 = arith.constant 0 : i32
      %lt3A_135 = arith.cmpi slt, %select_n3A_128, %lt3A_134 : i32
      %ne3A_136 = arith.xori %lt3A_133, %lt3A_135 : i1
      %and3A_137 = arith.andi %ne3A_136, %ne3A_131 : i1
      %add3A_138 = arith.addi %rem3A_129, %select_n3A_128 : i32
      %select_n3A_139 = arith.select %and3A_137, %add3A_138, %rem3A_129 : i32
      %jit3A_140 = arith.constant 8 : i32
      %div3A_141 = arith.divsi %scan3A_35, %jit3A_140 : i32
      %sign3A_142 = arith.constant 0 : i32
      %sign3A_143 = arith.cmpi sgt, %scan3A_35, %sign3A_142 : i32
      %sign3A_144 = arith.extui %sign3A_143 : i1 to i32
      %sign3A_145 = arith.constant 0 : i32
      %sign3A_146 = arith.cmpi slt, %scan3A_35, %sign3A_145 : i32
      %sign3A_147 = arith.extui %sign3A_146 : i1 to i32
      %sign3A_148 = arith.subi %sign3A_144, %sign3A_147 : i32
      %sign3A_149 = arith.constant 0 : i32
      %sign3A_150 = arith.cmpi sgt, %jit3A_140, %sign3A_149 : i32
      %sign3A_151 = arith.extui %sign3A_150 : i1 to i32
      %sign3A_152 = arith.constant 0 : i32
      %sign3A_153 = arith.cmpi slt, %jit3A_140, %sign3A_152 : i32
      %sign3A_154 = arith.extui %sign3A_153 : i1 to i32
      %sign3A_155 = arith.subi %sign3A_151, %sign3A_154 : i32
      %ne3A_156 = arith.cmpi ne, %sign3A_148, %sign3A_155 : i32
      %rem3A_157 = arith.remsi %scan3A_35, %jit3A_140 : i32
      %ne3A_158 = arith.constant 0 : i32
      %ne3A_159 = arith.cmpi ne, %rem3A_157, %ne3A_158 : i32
      %and3A_160 = arith.andi %ne3A_156, %ne3A_159 : i1
      %sub3A_161 = arith.constant 1 : i32
      %sub3A_162 = arith.subi %div3A_141, %sub3A_161 : i32
      %select_n3A_163 = arith.select %and3A_160, %sub3A_162, %div3A_141 : i32
      %jit3A_164 = arith.constant 2 : i32
      %eq3A_165 = arith.constant 0 : i32
      %eq3A_166 = arith.cmpi eq, %jit3A_164, %eq3A_165 : i32
      %jit3A_167 = arith.constant 1 : i32
      %select_n3A_168 = arith.select %eq3A_166, %jit3A_167, %jit3A_164 : i32
      %rem3A_169 = arith.remsi %select_n3A_163, %select_n3A_168 : i32
      %ne3A_170 = arith.constant 0 : i32
      %ne3A_171 = arith.cmpi ne, %rem3A_169, %ne3A_170 : i32
      %lt3A_172 = arith.constant 0 : i32
      %lt3A_173 = arith.cmpi slt, %rem3A_169, %lt3A_172 : i32
      %lt3A_174 = arith.constant 0 : i32
      %lt3A_175 = arith.cmpi slt, %select_n3A_168, %lt3A_174 : i32
      %ne3A_176 = arith.xori %lt3A_173, %lt3A_175 : i1
      %and3A_177 = arith.andi %ne3A_176, %ne3A_171 : i1
      %add3A_178 = arith.addi %rem3A_169, %select_n3A_168 : i32
      %select_n3A_179 = arith.select %and3A_177, %add3A_178, %rem3A_169 : i32
      %jit3A_180 = arith.constant 8 : i32
      %eq3A_181 = arith.constant 0 : i32
      %eq3A_182 = arith.cmpi eq, %jit3A_180, %eq3A_181 : i32
      %jit3A_183 = arith.constant 1 : i32
      %select_n3A_184 = arith.select %eq3A_182, %jit3A_183, %jit3A_180 : i32
      %rem3A_185 = arith.remsi %scan3A_35, %select_n3A_184 : i32
      %ne3A_186 = arith.constant 0 : i32
      %ne3A_187 = arith.cmpi ne, %rem3A_185, %ne3A_186 : i32
      %lt3A_188 = arith.constant 0 : i32
      %lt3A_189 = arith.cmpi slt, %rem3A_185, %lt3A_188 : i32
      %lt3A_190 = arith.constant 0 : i32
      %lt3A_191 = arith.cmpi slt, %select_n3A_184, %lt3A_190 : i32
      %ne3A_192 = arith.xori %lt3A_189, %lt3A_191 : i1
      %and3A_193 = arith.andi %ne3A_192, %ne3A_187 : i1
      %add3A_194 = arith.addi %rem3A_185, %select_n3A_184 : i32
      %select_n3A_195 = arith.select %and3A_193, %add3A_194, %rem3A_185 : i32
      "tpu.region"() ({
        %run_scoped3A_196 = tpu.sem_alloc : memref<!tpu.dma_semaphore, #tpu.memory_space<semaphore_mem>>
        %dma_start3A_197 = arith.constant 0 : i32
        %dma_start3A_198 = arith.constant 0 : i32
        %dma_start3A_199 = tpu.memref_slice %arg9[%select_n3A_139, %dma_start3A_197, %dma_start3A_198] : memref<2x128x128xf32, #tpu.memory_space<vmem>> -> memref<1x128x128xf32, #tpu.memory_space<vmem>>
        %dma_start3A_200 = tpu.memref_squeeze %dma_start3A_199 : memref<1x128x128xf32, #tpu.memory_space<vmem>> -> memref<128x128xf32, #tpu.memory_space<vmem>>
        %dma_start3A_201 = arith.constant 0 : i32
        %dma_start3A_202 = tpu.memref_slice %arg8[%select_n3A_179, %select_n3A_195, %dma_start3A_201] : memref<2x8x128xi32, #tpu.memory_space<vmem>> -> memref<1x1x128xi32, #tpu.memory_space<vmem>>
        %dma_start3A_203 = tpu.memref_squeeze %dma_start3A_202 : memref<1x1x128xi32, #tpu.memory_space<vmem>> -> memref<128xi32, #tpu.memory_space<vmem>>
        %dma_start3A_204 = arith.constant 0 : i32
        %dma_start3A_205 = arith.constant 0 : i32
        %dma_start3A_206 = tpu.memref_slice %arg11[%dma_start3A_204, %dma_start3A_205] : memref<10112x128xf32, #tpu.memory_space<vmem_shared>> -> memref<10112x128xf32, #tpu.memory_space<vmem_shared>>
        tpu.enqueue_indirect_dma source(%dma_start3A_200 : memref<128x128xf32, #tpu.memory_space<vmem>>) target(%dma_start3A_206 : memref<10112x128xf32, #tpu.memory_space<vmem_shared>>) offsets(%dma_start3A_203 : memref<128xi32, #tpu.memory_space<vmem>>) semaphore(%run_scoped3A_196 : memref<!tpu.dma_semaphore, #tpu.memory_space<semaphore_mem>>) {add = true}
        %dma_wait3A_207 = arith.constant 0 : i32
        %dma_wait3A_208 = arith.constant 0 : i32
        %dma_wait3A_209 = tpu.memref_slice %arg9[%select_n3A_139, %dma_wait3A_207, %dma_wait3A_208] : memref<2x128x128xf32, #tpu.memory_space<vmem>> -> memref<1x128x128xf32, #tpu.memory_space<vmem>>
        %dma_wait3A_210 = tpu.memref_squeeze %dma_wait3A_209 : memref<1x128x128xf32, #tpu.memory_space<vmem>> -> memref<128x128xf32, #tpu.memory_space<vmem>>
        %dma_wait3A_211 = arith.constant 0 : i32
        %dma_wait3A_212 = tpu.memref_slice %arg8[%select_n3A_179, %select_n3A_195, %dma_wait3A_211] : memref<2x8x128xi32, #tpu.memory_space<vmem>> -> memref<1x1x128xi32, #tpu.memory_space<vmem>>
        %dma_wait3A_213 = tpu.memref_squeeze %dma_wait3A_212 : memref<1x1x128xi32, #tpu.memory_space<vmem>> -> memref<128xi32, #tpu.memory_space<vmem>>
        %dma_wait3A_214 = arith.constant 0 : i32
        %dma_wait3A_215 = arith.constant 0 : i32
        %dma_wait3A_216 = tpu.memref_slice %arg11[%dma_wait3A_214, %dma_wait3A_215] : memref<10112x128xf32, #tpu.memory_space<vmem_shared>> -> memref<10112x128xf32, #tpu.memory_space<vmem_shared>>
        tpu.wait_indirect_dma semaphore(%run_scoped3A_196 : memref<!tpu.dma_semaphore, #tpu.memory_space<semaphore_mem>>) src(%dma_wait3A_210 : memref<128x128xf32, #tpu.memory_space<vmem>>) dst(%dma_wait3A_216 : memref<10112x128xf32, #tpu.memory_space<vmem_shared>>)
        tpu.yield
      }) : () -> ()
    }
    %scan3A_19 = arith.constant 79 : i32
    %dma_wait3A = arith.constant 0 : i32
    %dma_wait3A_20 = arith.constant 1 : i32
    %dma_wait3A_21 = arith.constant 0 : i32
    %dma_wait3A_22 = arith.constant 0 : i32
    %dma_wait3A_23 = tpu.memref_slice %arg9[%dma_wait3A_20, %dma_wait3A_21, %dma_wait3A_22] : memref<2x128x128xf32, #tpu.memory_space<vmem>> -> memref<1x128x128xf32, #tpu.memory_space<vmem>>
    %dma_wait3A_24 = tpu.memref_squeeze %dma_wait3A_23 : memref<1x128x128xf32, #tpu.memory_space<vmem>> -> memref<128x128xf32, #tpu.memory_space<vmem>>
    %dma_wait3A_25 = arith.constant 0 : i32
    %dma_wait3A_26 = tpu.memref_slice %arg7[%dma_wait3A, %dma_wait3A_25] : memref<80x128xi32, #tpu.memory_space<vmem>> -> memref<1x128xi32, #tpu.memory_space<vmem>>
    %dma_wait3A_27 = tpu.memref_squeeze %dma_wait3A_26 : memref<1x128xi32, #tpu.memory_space<vmem>> -> memref<128xi32, #tpu.memory_space<vmem>>
    %dma_wait3A_28 = arith.constant 0 : i32
    %dma_wait3A_29 = arith.constant 0 : i32
    %dma_wait3A_30 = tpu.memref_slice %arg2[%dma_wait3A_28, %dma_wait3A_29] : memref<10000x128xf32, #tpu.memory_space<hbm>> -> memref<10000x128xf32, #tpu.memory_space<hbm>>
    tpu.wait_indirect_dma semaphore(%arg10 : memref<!tpu.dma_semaphore, #tpu.memory_space<semaphore_mem>>) src(%dma_wait3A_30 : memref<10000x128xf32, #tpu.memory_space<hbm>>) dst(%dma_wait3A_24 : memref<128x128xf32, #tpu.memory_space<vmem>>)
    %run_scoped3A_31 = arith.constant 1 : i32
    %run_scoped3A_32 = arith.constant 1 : i32
    %run_scoped3A_33 = arith.constant 7 : i32
    "tpu.region"() ({
      %run_scoped3A_35 = tpu.sem_alloc : memref<!tpu.dma_semaphore, #tpu.memory_space<semaphore_mem>>
      %dma_start3A_36 = arith.constant 0 : i32
      %dma_start3A_37 = arith.constant 0 : i32
      %dma_start3A_38 = tpu.memref_slice %arg9[%run_scoped3A_31, %dma_start3A_36, %dma_start3A_37] : memref<2x128x128xf32, #tpu.memory_space<vmem>> -> memref<1x128x128xf32, #tpu.memory_space<vmem>>
      %dma_start3A_39 = tpu.memref_squeeze %dma_start3A_38 : memref<1x128x128xf32, #tpu.memory_space<vmem>> -> memref<128x128xf32, #tpu.memory_space<vmem>>
      %dma_start3A_40 = arith.constant 0 : i32
      %dma_start3A_41 = tpu.memref_slice %arg8[%run_scoped3A_32, %run_scoped3A_33, %dma_start3A_40] : memref<2x8x128xi32, #tpu.memory_space<vmem>> -> memref<1x1x128xi32, #tpu.memory_space<vmem>>
      %dma_start3A_42 = tpu.memref_squeeze %dma_start3A_41 : memref<1x1x128xi32, #tpu.memory_space<vmem>> -> memref<128xi32, #tpu.memory_space<vmem>>
      %dma_start3A_43 = arith.constant 0 : i32
      %dma_start3A_44 = arith.constant 0 : i32
      %dma_start3A_45 = tpu.memref_slice %arg11[%dma_start3A_43, %dma_start3A_44] : memref<10112x128xf32, #tpu.memory_space<vmem_shared>> -> memref<10112x128xf32, #tpu.memory_space<vmem_shared>>
      tpu.enqueue_indirect_dma source(%dma_start3A_39 : memref<128x128xf32, #tpu.memory_space<vmem>>) target(%dma_start3A_45 : memref<10112x128xf32, #tpu.memory_space<vmem_shared>>) offsets(%dma_start3A_42 : memref<128xi32, #tpu.memory_space<vmem>>) semaphore(%run_scoped3A_35 : memref<!tpu.dma_semaphore, #tpu.memory_space<semaphore_mem>>) {add = true}
      %dma_wait3A_46 = arith.constant 0 : i32
      %dma_wait3A_47 = arith.constant 0 : i32
      %dma_wait3A_48 = tpu.memref_slice %arg9[%run_scoped3A_31, %dma_wait3A_46, %dma_wait3A_47] : memref<2x128x128xf32, #tpu.memory_space<vmem>> -> memref<1x128x128xf32, #tpu.memory_space<vmem>>
      %dma_wait3A_49 = tpu.memref_squeeze %dma_wait3A_48 : memref<1x128x128xf32, #tpu.memory_space<vmem>> -> memref<128x128xf32, #tpu.memory_space<vmem>>
      %dma_wait3A_50 = arith.constant 0 : i32
      %dma_wait3A_51 = tpu.memref_slice %arg8[%run_scoped3A_32, %run_scoped3A_33, %dma_wait3A_50] : memref<2x8x128xi32, #tpu.memory_space<vmem>> -> memref<1x1x128xi32, #tpu.memory_space<vmem>>
      %dma_wait3A_52 = tpu.memref_squeeze %dma_wait3A_51 : memref<1x1x128xi32, #tpu.memory_space<vmem>> -> memref<128xi32, #tpu.memory_space<vmem>>
      %dma_wait3A_53 = arith.constant 0 : i32
      %dma_wait3A_54 = arith.constant 0 : i32
      %dma_wait3A_55 = tpu.memref_slice %arg11[%dma_wait3A_53, %dma_wait3A_54] : memref<10112x128xf32, #tpu.memory_space<vmem_shared>> -> memref<10112x128xf32, #tpu.memory_space<vmem_shared>>
      tpu.wait_indirect_dma semaphore(%run_scoped3A_35 : memref<!tpu.dma_semaphore, #tpu.memory_space<semaphore_mem>>) src(%dma_wait3A_49 : memref<128x128xf32, #tpu.memory_space<vmem>>) dst(%dma_wait3A_55 : memref<10112x128xf32, #tpu.memory_space<vmem_shared>>)
      tpu.yield
    }) : () -> ()
    %barrier3A_34 = arith.constant 0 : index
    tpu.barrier barrier_id(%barrier3A_34)
    "tpu.region"() ({
      %run_scoped3A_35 = tpu.sem_alloc : memref<!tpu.dma_semaphore, #tpu.memory_space<semaphore_mem>>
      %dma_start3A_36 = arith.constant 0 : i32
      %dma_start3A_37 = tpu.memref_slice %arg6[%arg0, %mul3A_2, %dma_start3A_36] : memref<2x10112x128xf32, #tpu.memory_space<hbm>> -> memref<1x632x128xf32, #tpu.memory_space<hbm>>
      %dma_start3A_38 = tpu.memref_squeeze %dma_start3A_37 : memref<1x632x128xf32, #tpu.memory_space<hbm>> -> memref<632x128xf32, #tpu.memory_space<hbm>>
      %dma_start3A_39 = arith.constant 0 : i32
      %dma_start3A_40 = tpu.memref_slice %arg11[%mul3A_2, %dma_start3A_39] : memref<10112x128xf32, #tpu.memory_space<vmem_shared>> -> memref<632x128xf32, #tpu.memory_space<vmem_shared>>
      tpu.enqueue_dma source(%dma_start3A_40 : memref<632x128xf32, #tpu.memory_space<vmem_shared>>) target(%dma_start3A_38 : memref<632x128xf32, #tpu.memory_space<hbm>>) target_semaphore(%run_scoped3A_35 : memref<!tpu.dma_semaphore, #tpu.memory_space<semaphore_mem>>)
      %dma_wait3A_41 = arith.constant 0 : i32
      %dma_wait3A_42 = tpu.memref_slice %arg6[%arg0, %mul3A_2, %dma_wait3A_41] : memref<2x10112x128xf32, #tpu.memory_space<hbm>> -> memref<1x632x128xf32, #tpu.memory_space<hbm>>
      %dma_wait3A_43 = tpu.memref_squeeze %dma_wait3A_42 : memref<1x632x128xf32, #tpu.memory_space<hbm>> -> memref<632x128xf32, #tpu.memory_space<hbm>>
      %dma_wait3A_44 = arith.constant 0 : i32
      %dma_wait3A_45 = tpu.memref_slice %arg11[%mul3A_2, %dma_wait3A_44] : memref<10112x128xf32, #tpu.memory_space<vmem_shared>> -> memref<632x128xf32, #tpu.memory_space<vmem_shared>>
      tpu.wait_dma2 semaphore(%run_scoped3A_35 : memref<!tpu.dma_semaphore, #tpu.memory_space<semaphore_mem>>) src(%dma_wait3A_45 : memref<632x128xf32, #tpu.memory_space<vmem_shared>>) dst(%dma_wait3A_43 : memref<632x128xf32, #tpu.memory_space<hbm>>)
      tpu.yield
    }) : () -> ()
    return
  }
}

module attributes {stable_mosaic.version = 14 : i64} {
  func.func @_tc1_body(%arg0: i32, %arg1: memref<1x2000x128xf32, #tpu.memory_space<vmem>>, %arg2: memref<1x2000x128xf32, #tpu.memory_space<vmem>>, %arg3: memref<2000x128xf32, #tpu.memory_space<vmem>>, %arg4: memref<128x128xf32, #tpu.memory_space<vmem>>, %arg5: memref<2000x128xf32, #tpu.memory_space<vmem>>, %arg6: memref<2000x16xf32, #tpu.memory_space<vmem>>, %arg7: memref<2000x16xf32, #tpu.memory_space<vmem>>) attributes {dimension_semantics = [#tpu.dimension_semantics<arbitrary>], iteration_bounds = array<i64: 5>, scalar_prefetch = 0 : i64, scratch_operands = 0 : i64, tpu.core_type = #tpu.core_type<tc>, window_params = [{transform_indices = @transform_0, window_bounds = array<i64: 1, 2000, 128>}, {transform_indices = @transform_1, window_bounds = array<i64: 1, 2000, 128>}, {transform_indices = @transform_2, window_bounds = array<i64: 2000, 128>}, {pipeline_mode = #tpu.pipeline_mode<synchronous>, transform_indices = @transform_3, window_bounds = array<i64: 128, 128>}, {transform_indices = @transform_4, window_bounds = array<i64: 2000, 128>}, {transform_indices = @transform_5, window_bounds = array<i64: 2000, 16>}, {transform_indices = @transform_6, window_bounds = array<i64: 2000, 16>}]} {
    %get3A = arith.constant 0 : index
    %get3A_0 = arith.constant 0 : index
    %get3A_1 = arith.constant 0 : index
    %get3A_2 = vector.load %arg1[%get3A, %get3A_0, %get3A_1] : memref<1x2000x128xf32, #tpu.memory_space<vmem>>, vector<1x2000x16xf32>
    %get3A_3 = vector.shape_cast %get3A_2 : vector<1x2000x16xf32> to vector<2000x16xf32>
    %max3A = arith.constant 1.000000e+00 : f32
    %max3A_4 = vector.broadcast %max3A : f32 to vector<2000x16xf32>
    %max3A_5 = arith.maximumf %get3A_3, %max3A_4 : vector<2000x16xf32>
    %rsqrt3A = math.rsqrt %max3A_5 : vector<2000x16xf32>
    %get3A_6 = arith.constant 0 : index
    %get3A_7 = arith.constant 0 : index
    %get3A_8 = arith.constant 0 : index
    %get3A_9 = vector.load %arg2[%get3A_6, %get3A_7, %get3A_8] : memref<1x2000x128xf32, #tpu.memory_space<vmem>>, vector<1x2000x16xf32>
    %get3A_10 = vector.shape_cast %get3A_9 : vector<1x2000x16xf32> to vector<2000x16xf32>
    %max3A_11 = arith.constant 1.000000e+00 : f32
    %max3A_12 = vector.broadcast %max3A_11 : f32 to vector<2000x16xf32>
    %max3A_13 = arith.maximumf %get3A_10, %max3A_12 : vector<2000x16xf32>
    %rsqrt3A_14 = math.rsqrt %max3A_13 : vector<2000x16xf32>
    %swap3A = arith.constant 0 : index
    %swap3A_15 = arith.constant 0 : index
    %swap3A_16 = vector.load %arg6[%swap3A, %swap3A_15] : memref<2000x16xf32, #tpu.memory_space<vmem>>, vector<2000x16xf32>
    tpu.vector_store %arg6[%swap3A, %swap3A_15], %rsqrt3A {strides = array<i32>} : memref<2000x16xf32, #tpu.memory_space<vmem>>, vector<2000x16xf32>,
    %swap3A_17 = arith.constant 0 : index
    %swap3A_18 = arith.constant 0 : index
    %swap3A_19 = vector.load %arg7[%swap3A_17, %swap3A_18] : memref<2000x16xf32, #tpu.memory_space<vmem>>, vector<2000x16xf32>
    tpu.vector_store %arg7[%swap3A_17, %swap3A_18], %rsqrt3A_14 {strides = array<i32>} : memref<2000x16xf32, #tpu.memory_space<vmem>>, vector<2000x16xf32>,
    %get3A_20 = arith.constant 0 : index
    %get3A_21 = arith.constant 0 : index
    %get3A_22 = vector.load %arg3[%get3A_20, %get3A_21] : memref<2000x128xf32, #tpu.memory_space<vmem>>, vector<2000x128xf32>
    %get3A_23 = arith.constant 0 : index
    %get3A_24 = arith.constant 0 : index
    %get3A_25 = vector.load %arg4[%get3A_23, %get3A_24] : memref<128x128xf32, #tpu.memory_space<vmem>>, vector<128x128xf32>
    %dot_general3A = arith.constant dense<0.000000e+00> : vector<2000x128xf32>
    %dot_general3A_26 = tpu.matmul %get3A_22, %get3A_25, %dot_general3A {dimension_numbers = #tpu.dot_dimension_numbers<[1], [0], [0], [1], [0, 0, 1, 1], [], []>, precision = #tpu.contract_precision<fp32>, transpose_lhs_hint = false} : vector<2000x128xf32>, vector<128x128xf32>, vector<2000x128xf32> -> vector<2000x128xf32>
    %slice3A = vector.extract_strided_slice %rsqrt3A {offsets = [0, 0], sizes = [2000, 1], strides = [1, 1]} : vector<2000x16xf32> to vector<2000x1xf32>
    %mul3A = vector.broadcast %slice3A : vector<2000x1xf32> to vector<2000x128xf32>
    %mul3A_27 = arith.mulf %dot_general3A_26, %mul3A : vector<2000x128xf32>
    %swap3A_28 = arith.constant 0 : index
    %swap3A_29 = arith.constant 0 : index
    %swap3A_30 = vector.load %arg5[%swap3A_28, %swap3A_29] : memref<2000x128xf32, #tpu.memory_space<vmem>>, vector<2000x128xf32>
    tpu.vector_store %arg5[%swap3A_28, %swap3A_29], %mul3A_27 {strides = array<i32>} : memref<2000x128xf32, #tpu.memory_space<vmem>>, vector<2000x128xf32>,
    return
  }
  func.func @transform_0(%arg0: i32) -> (i32, i32, i32) {
    %c0_i32 = arith.constant 0 : i32
    %c0_i32_0 = arith.constant 0 : i32
    %c0_i32_1 = arith.constant 0 : i32
    return %c0_i32, %arg0, %c0_i32_0 : i32, i32, i32
  }
  func.func @transform_1(%arg0: i32) -> (i32, i32, i32) {
    %c1_i32 = arith.constant 1 : i32
    %c0_i32 = arith.constant 0 : i32
    %c0_i32_0 = arith.constant 0 : i32
    return %c1_i32, %arg0, %c0_i32 : i32, i32, i32
  }
  func.func @transform_2(%arg0: i32) -> (i32, i32) {
    %c0_i32 = arith.constant 0 : i32
    %c0_i32_0 = arith.constant 0 : i32
    return %arg0, %c0_i32 : i32, i32
  }
  func.func @transform_3(%arg0: i32) -> (i32, i32) {
    %c0_i32 = arith.constant 0 : i32
    %c0_i32_0 = arith.constant 0 : i32
    %c0_i32_1 = arith.constant 0 : i32
    return %c0_i32, %c0_i32_0 : i32, i32
  }
  func.func @transform_4(%arg0: i32) -> (i32, i32) {
    %c0_i32 = arith.constant 0 : i32
    %c0_i32_0 = arith.constant 0 : i32
    return %arg0, %c0_i32 : i32, i32
  }
  func.func @transform_5(%arg0: i32) -> (i32, i32) {
    %c0_i32 = arith.constant 0 : i32
    %c0_i32_0 = arith.constant 0 : i32
    return %arg0, %c0_i32 : i32, i32
  }
  func.func @transform_6(%arg0: i32) -> (i32, i32) {
    %c0_i32 = arith.constant 0 : i32
    %c0_i32_0 = arith.constant 0 : i32
    return %arg0, %c0_i32 : i32, i32
  }
}

module attributes {stable_mosaic.version = 14 : i64} {
  func.func @_tc2_body(%arg0: i32, %arg1: memref<1x2000x128xf32, #tpu.memory_space<vmem>>, %arg2: memref<1x2000x128xf32, #tpu.memory_space<vmem>>, %arg3: memref<2000x16xf32, #tpu.memory_space<vmem>>, %arg4: memref<1x128xf32, #tpu.memory_space<vmem>>, %arg5: memref<128x64xf32, #tpu.memory_space<vmem>>, %arg6: memref<2000x16xf32, #tpu.memory_space<vmem>>, %arg7: memref<2000x128xf32, #tpu.memory_space<vmem>>) attributes {dimension_semantics = [#tpu.dimension_semantics<arbitrary>], iteration_bounds = array<i64: 5>, scalar_prefetch = 0 : i64, scratch_operands = 0 : i64, tpu.core_type = #tpu.core_type<tc>, window_params = [{transform_indices = @transform_0, window_bounds = array<i64: 1, 2000, 128>}, {transform_indices = @transform_1, window_bounds = array<i64: 1, 2000, 128>}, {transform_indices = @transform_2, window_bounds = array<i64: 2000, 16>}, {pipeline_mode = #tpu.pipeline_mode<synchronous>, transform_indices = @transform_3, window_bounds = array<i64: 1, 128>}, {pipeline_mode = #tpu.pipeline_mode<synchronous>, transform_indices = @transform_4, window_bounds = array<i64: 128, 64>}, {transform_indices = @transform_5, window_bounds = array<i64: 2000, 16>}, {transform_indices = @transform_6, window_bounds = array<i64: 2000, 128>}]} {
    %get3A = arith.constant 0 : index
    %get3A_0 = arith.constant 0 : index
    %get3A_1 = arith.constant 0 : index
    %get3A_2 = vector.load %arg1[%get3A, %get3A_0, %get3A_1] : memref<1x2000x128xf32, #tpu.memory_space<vmem>>, vector<1x2000x128xf32>
    %get3A_3 = vector.shape_cast %get3A_2 : vector<1x2000x128xf32> to vector<2000x128xf32>
    %get3A_4 = arith.constant 0 : index
    %get3A_5 = arith.constant 0 : index
    %get3A_6 = arith.constant 0 : index
    %get3A_7 = vector.load %arg2[%get3A_4, %get3A_5, %get3A_6] : memref<1x2000x128xf32, #tpu.memory_space<vmem>>, vector<1x2000x128xf32>
    %get3A_8 = vector.shape_cast %get3A_7 : vector<1x2000x128xf32> to vector<2000x128xf32>
    %add3A = arith.addf %get3A_3, %get3A_8 : vector<2000x128xf32>
    %get3A_9 = arith.constant 0 : index
    %get3A_10 = arith.constant 0 : index
    %get3A_11 = vector.load %arg3[%get3A_9, %get3A_10] : memref<2000x16xf32, #tpu.memory_space<vmem>>, vector<2000x1xf32>
    %mul3A = vector.broadcast %get3A_11 : vector<2000x1xf32> to vector<2000x128xf32>
    %mul3A_12 = arith.mulf %add3A, %mul3A : vector<2000x128xf32>
    %get3A_13 = arith.constant 0 : index
    %get3A_14 = arith.constant 0 : index
    %get3A_15 = vector.load %arg4[%get3A_13, %get3A_14] : memref<1x128xf32, #tpu.memory_space<vmem>>, vector<1x128xf32>
    %add3A_16 = vector.broadcast %get3A_15 : vector<1x128xf32> to vector<2000x128xf32>
    %add3A_17 = arith.addf %mul3A_12, %add3A_16 : vector<2000x128xf32>
    %max3A = arith.constant 0.000000e+00 : f32
    %max3A_18 = vector.broadcast %max3A : f32 to vector<2000x128xf32>
    %max3A_19 = arith.maximumf %add3A_17, %max3A_18 : vector<2000x128xf32>
    %get3A_20 = arith.constant 0 : index
    %get3A_21 = arith.constant 0 : index
    %get3A_22 = vector.load %arg5[%get3A_20, %get3A_21] : memref<128x64xf32, #tpu.memory_space<vmem>>, vector<128x64xf32>
    %dot_general3A = arith.constant dense<0.000000e+00> : vector<2000x64xf32>
    %dot_general3A_23 = tpu.matmul %max3A_19, %get3A_22, %dot_general3A {dimension_numbers = #tpu.dot_dimension_numbers<[1], [0], [0], [1], [0, 0, 1, 1], [], []>, precision = #tpu.contract_precision<fp32>, transpose_lhs_hint = false} : vector<2000x128xf32>, vector<128x64xf32>, vector<2000x64xf32> -> vector<2000x64xf32>
    %get3A_24 = arith.constant 0 : index
    %get3A_25 = arith.constant 0 : index
    %get3A_26 = vector.load %arg6[%get3A_24, %get3A_25] : memref<2000x16xf32, #tpu.memory_space<vmem>>, vector<2000x1xf32>
    %mul3A_27 = vector.broadcast %get3A_26 : vector<2000x1xf32> to vector<2000x64xf32>
    %mul3A_28 = arith.mulf %dot_general3A_23, %mul3A_27 : vector<2000x64xf32>
    %broadcast_in_dim3A = arith.constant 0.000000e+00 : f32
    %broadcast_in_dim3A_29 = vector.broadcast %broadcast_in_dim3A : f32 to vector<2000x64xf32>
    %concatenate3A = tpu.concatenate %mul3A_28, %broadcast_in_dim3A_29 in 1 : vector<2000x64xf32>, vector<2000x64xf32> -> vector<2000x128xf32>
    %swap3A = arith.constant 0 : index
    %swap3A_30 = arith.constant 0 : index
    %swap3A_31 = vector.load %arg7[%swap3A, %swap3A_30] : memref<2000x128xf32, #tpu.memory_space<vmem>>, vector<2000x128xf32>
    tpu.vector_store %arg7[%swap3A, %swap3A_30], %concatenate3A {strides = array<i32>} : memref<2000x128xf32, #tpu.memory_space<vmem>>, vector<2000x128xf32>,
    return
  }
  func.func @transform_0(%arg0: i32) -> (i32, i32, i32) {
    %c0_i32 = arith.constant 0 : i32
    %c0_i32_0 = arith.constant 0 : i32
    %c0_i32_1 = arith.constant 0 : i32
    return %c0_i32, %arg0, %c0_i32_0 : i32, i32, i32
  }
  func.func @transform_1(%arg0: i32) -> (i32, i32, i32) {
    %c1_i32 = arith.constant 1 : i32
    %c0_i32 = arith.constant 0 : i32
    %c0_i32_0 = arith.constant 0 : i32
    return %c1_i32, %arg0, %c0_i32 : i32, i32, i32
  }
  func.func @transform_2(%arg0: i32) -> (i32, i32) {
    %c0_i32 = arith.constant 0 : i32
    %c0_i32_0 = arith.constant 0 : i32
    return %arg0, %c0_i32 : i32, i32
  }
  func.func @transform_3(%arg0: i32) -> (i32, i32) {
    %c0_i32 = arith.constant 0 : i32
    %c0_i32_0 = arith.constant 0 : i32
    %c0_i32_1 = arith.constant 0 : i32
    return %c0_i32, %c0_i32_0 : i32, i32
  }
  func.func @transform_4(%arg0: i32) -> (i32, i32) {
    %c0_i32 = arith.constant 0 : i32
    %c0_i32_0 = arith.constant 0 : i32
    %c0_i32_1 = arith.constant 0 : i32
    return %c0_i32, %c0_i32_0 : i32, i32
  }
  func.func @transform_5(%arg0: i32) -> (i32, i32) {
    %c0_i32 = arith.constant 0 : i32
    %c0_i32_0 = arith.constant 0 : i32
    return %arg0, %c0_i32 : i32, i32
  }
  func.func @transform_6(%arg0: i32) -> (i32, i32) {
    %c0_i32 = arith.constant 0 : i32
    %c0_i32_0 = arith.constant 0 : i32
    return %arg0, %c0_i32 : i32, i32
  }
}

module attributes {stable_mosaic.version = 14 : i64} {
  func.func @_tc3_body(%arg0: i32, %arg1: memref<1x2000x128xf32, #tpu.memory_space<vmem>>, %arg2: memref<1x2000x128xf32, #tpu.memory_space<vmem>>, %arg3: memref<2000x16xf32, #tpu.memory_space<vmem>>, %arg4: memref<1x64xf32, #tpu.memory_space<vmem>>, %arg5: memref<2000x64xf32, #tpu.memory_space<vmem>>) attributes {dimension_semantics = [#tpu.dimension_semantics<arbitrary>], iteration_bounds = array<i64: 5>, scalar_prefetch = 0 : i64, scratch_operands = 0 : i64, tpu.core_type = #tpu.core_type<tc>, window_params = [{transform_indices = @transform_0, window_bounds = array<i64: 1, 2000, 128>}, {transform_indices = @transform_1, window_bounds = array<i64: 1, 2000, 128>}, {transform_indices = @transform_2, window_bounds = array<i64: 2000, 16>}, {pipeline_mode = #tpu.pipeline_mode<synchronous>, transform_indices = @transform_3, window_bounds = array<i64: 1, 64>}, {transform_indices = @transform_4, window_bounds = array<i64: 2000, 64>}]} {
    %get3A = arith.constant 0 : index
    %get3A_0 = arith.constant 0 : index
    %get3A_1 = arith.constant 0 : index
    %get3A_2 = vector.load %arg1[%get3A, %get3A_0, %get3A_1] : memref<1x2000x128xf32, #tpu.memory_space<vmem>>, vector<1x2000x64xf32>
    %get3A_3 = vector.shape_cast %get3A_2 : vector<1x2000x64xf32> to vector<2000x64xf32>
    %get3A_4 = arith.constant 0 : index
    %get3A_5 = arith.constant 0 : index
    %get3A_6 = arith.constant 0 : index
    %get3A_7 = vector.load %arg2[%get3A_4, %get3A_5, %get3A_6] : memref<1x2000x128xf32, #tpu.memory_space<vmem>>, vector<1x2000x64xf32>
    %get3A_8 = vector.shape_cast %get3A_7 : vector<1x2000x64xf32> to vector<2000x64xf32>
    %add3A = arith.addf %get3A_3, %get3A_8 : vector<2000x64xf32>
    %get3A_9 = arith.constant 0 : index
    %get3A_10 = arith.constant 0 : index
    %get3A_11 = vector.load %arg3[%get3A_9, %get3A_10] : memref<2000x16xf32, #tpu.memory_space<vmem>>, vector<2000x1xf32>
    %mul3A = vector.broadcast %get3A_11 : vector<2000x1xf32> to vector<2000x64xf32>
    %mul3A_12 = arith.mulf %add3A, %mul3A : vector<2000x64xf32>
    %get3A_13 = arith.constant 0 : index
    %get3A_14 = arith.constant 0 : index
    %get3A_15 = vector.load %arg4[%get3A_13, %get3A_14] : memref<1x64xf32, #tpu.memory_space<vmem>>, vector<1x64xf32>
    %add3A_16 = vector.broadcast %get3A_15 : vector<1x64xf32> to vector<2000x64xf32>
    %add3A_17 = arith.addf %mul3A_12, %add3A_16 : vector<2000x64xf32>
    %swap3A = arith.constant 0 : index
    %swap3A_18 = arith.constant 0 : index
    %swap3A_19 = vector.load %arg5[%swap3A, %swap3A_18] : memref<2000x64xf32, #tpu.memory_space<vmem>>, vector<2000x64xf32>
    tpu.vector_store %arg5[%swap3A, %swap3A_18], %add3A_17 {strides = array<i32>} : memref<2000x64xf32, #tpu.memory_space<vmem>>, vector<2000x64xf32>,
    return
  }
  func.func @transform_0(%arg0: i32) -> (i32, i32, i32) {
    %c0_i32 = arith.constant 0 : i32
    %c0_i32_0 = arith.constant 0 : i32
    %c0_i32_1 = arith.constant 0 : i32
    return %c0_i32, %arg0, %c0_i32_0 : i32, i32, i32
  }
  func.func @transform_1(%arg0: i32) -> (i32, i32, i32) {
    %c1_i32 = arith.constant 1 : i32
    %c0_i32 = arith.constant 0 : i32
    %c0_i32_0 = arith.constant 0 : i32
    return %c1_i32, %arg0, %c0_i32 : i32, i32, i32
  }
  func.func @transform_2(%arg0: i32) -> (i32, i32) {
    %c0_i32 = arith.constant 0 : i32
    %c0_i32_0 = arith.constant 0 : i32
    return %arg0, %c0_i32 : i32, i32
  }
  func.func @transform_3(%arg0: i32) -> (i32, i32) {
    %c0_i32 = arith.constant 0 : i32
    %c0_i32_0 = arith.constant 0 : i32
    %c0_i32_1 = arith.constant 0 : i32
    return %c0_i32, %c0_i32_0 : i32, i32
  }
  func.func @transform_4(%arg0: i32) -> (i32, i32) {
    %c0_i32 = arith.constant 0 : i32
    %c0_i32_0 = arith.constant 0 : i32
    return %arg0, %c0_i32 : i32, i32
  }
}

</mosaic_0001>

<sc_bundles>
// kernel: kernel.11.cloned.1.call-start
scs
__scs_entry_jumppad:
0x0: {  	(pc) =	sbr.rel $0x88, $3  }
0x1: {  	(tag) =	ssettag $0x0;
	lr =	simm.s32 $0x1  }
0x2: {  	[smem:$0x3F9B] =	sst lr;
	_ =	strace $0xD0000000  }
0x3: {  	_ = 	snop  }
0x4: {  	_ = 	snop  }
0x5: {  	_ = 	snop  }
0x6: {  	_ = 	snop  }
0x7: {  	_ = 	snop  }
__scs_overlays_trampoline_lowered:
0x8: {  	[smem:$0x3FAA] =	sst s0  }
0x9: {  	[smem:$0x3FAB] =	sst s1  }
0xa: {  	[smem:$0x3FAC] =	sst s2  }
0xb: {  	[smem:$0x3FAD] =	sst s3  }
0xc: {  	[smem:$0x3FAE] =	sst s4  }
0xd: {  	[smem:$0x3FAF] =	sst s5  }
0xe: {  	[smem:$0x3FB0] =	sst s6  }
0xf: {  	[smem:$0x3FB1] =	sst s7  }
0x10: {  	[smem:$0x3FB2] =	sst s8  }
0x11: {  	[smem:$0x3FB3] =	sst s9;
	s0 =	simm.s32 @!p0 $0x0  }
0x12: {  	s1 =	sld [smem:$0x3F99];
	s0 =	simm.s32 @p0 $0x1  }
0x13: {  	[smem:$0x3FB4] =	sst s0;
	s0 =	simm.s32 @!p1 $0x0  }
0x14: {  	s2 =	sld [smem:$0x3F98];
	s0 =	simm.s32 @p1 $0x1  }
0x15: {  	[smem:$0x3FB5] =	sst s0;
	s0 =	simm.s32 @!p2 $0x0  }
0x16: {  	s3 =	sld [smem:$0x3FDB];
	s0 =	simm.s32 @p2 $0x1  }
0x17: {  	s4 =	simm.s32 $0x1BF5;
	[smem:$0x3FB7] =	sst s0  }
0x18: {  	s0 =	sld [smem:$0x3F9A];
	_ =	swait.ge [sflag:s4], $0x0  }
0x19: {  	s7 =	sld [smem:$0x3F9B]  }
0x1a: {  	s8 =	sadd.s32 $0xFFFFE003, lr  }
0x1b: {  	s9 =	sadd.s32 $0xFFFFFEF7, lr;
	s5 =	simm.s32 $0xFFFFFFFF;
	p2 =	slt.u32 s8, $0xFFFFF086  }
0x1c: {  	p1 =	slt.u32 s9, $0xF7A;
	s5 =	simm.s32 @!p2 $0x0  }
0x1d: {  	s5 =	simm.s32 @p1 $0x1;
	p0 =	seq.s32 s7, s2  }
0x1e: {  	s7 =	smul.u32 @!p0 $0xF7A, s2;
	p2 =	seq.s32 @!p0 s5, $0x0  }
0x1f: {  	s9 =	smul.u32 $0xF7A, s1;
	s8 =	simm.s32 @!p0 $0x1BF5;
	p2 =	por !p2, p0  }
0x20: {  	[sflag:s8] =	ssyncset.s32 @!p0 $0xFFFFF086;
	s6 =	sadd.s32 @!p0 s3, s7;
	s7 =	simm.s32 @!p0 $0x108  }
0x21: {  	s3 =	sadd.s32 s3, s9;
	s6 =	sadd.s32 @!p0 $0x88, s6;
	s7 =	simm.s32 @p2 $0x1082  }
0x22: {  	[simem:s7], [sflag:s8] =	dma.local @!p0 [hbm:s6], $0xF7A  }
0x23: {  	s9 =	sor.u32 $0xD0000000, s2;
	s6 =	simm.s32 $0x108;
	_ =	swait.ge @!p0 [sflag:s8], $0x0  }
0x24: {  	s3 =	sadd.s32 $0x88, s3;
	s6 =	simm.s32 @!p1 $0x1082;
	[sflag:s4] =	ssyncset.s32 $0xFFFFF086  }
0x25: {  	[simem:s6], [sflag:s4] =	dma.local [hbm:s3], $0xF7A  }
0x26: {  	[smem:$0x3F9B] =	sst s1;
	(tag) =	ssettag s2;
	_ =	strace s9  }
0x27: {  	s1 =	sld [smem:$0x3FAB]  }
0x28: {  	s2 =	sld [smem:$0x3FAC]  }
0x29: {  	s4 =	sld [smem:$0x3FAE]  }
0x2a: {  	p0 =	seq.s32 s5, $0x0;
	s5 =	sld [smem:$0x3FAF]  }
0x2b: {  	s6 =	sld [smem:$0x3FB0]  }
0x2c: {  	s7 =	sld [smem:$0x3FB1]  }
0x2d: {  	s3 =	simm.s32 $0x108;
	s8 =	sld [smem:$0x3FB2]  }
0x2e: {  	s3 =	simm.s32 @!p0 $0x1082;
	s9 =	sld [smem:$0x3FB3]  }
0x2f: {  	lr =	sadd.s32 s0, s3;
	s0 =	sld [smem:$0x3FAA]  }
0x30: {  	s3 =	sld [smem:$0x3FAD]  }
0x31: {  	[smem:$0x3FB6] =	sst s10  }
0x32: {  	s10 =	sld [smem:$0x3FB4];
	_ =	sdelay $0x3  }
0x33: {  	p0 =	seq.s32 s10, $0x1;
	s10 =	sld [smem:$0x3FB6];
	_ =	sdelay $0x3  }
0x34: {  	[smem:$0x3FB6] =	sst s10  }
0x35: {  	s10 =	sld [smem:$0x3FB5];
	_ =	sdelay $0x3  }
0x36: {  	p1 =	seq.s32 s10, $0x1;
	s10 =	sld [smem:$0x3FB6];
	_ =	sdelay $0x3  }
0x37: {  	[smem:$0x3FB6] =	sst s10  }
0x38: {  	s10 =	sld [smem:$0x3FB7]  }
0x39: {  	_ = 	snop;
	(pc) =	sbr.ind lr, $3  }
0x3a: {  	_ = 	snop  }
0x3b: {  	_ = 	snop  }
0x3c: {  	p2 =	seq.s32 s10, $0x1;
	s10 =	sld [smem:$0x3FB6]  }
0x3d: {  	_ =	shalt  }
0x3e: {  	_ =	shalt  }
0x3f: {  	_ =	shalt  }
0x40: {  	_ =	shalt  }
0x41: {  	_ =	shalt  }
0x42: {  	_ =	shalt  }
0x43: {  	_ =	shalt  }
0x44: {  	_ =	shalt  }
0x45: {  	_ =	shalt  }
0x46: {  	_ =	shalt  }
0x47: {  	_ =	shalt  }
0x48: {  	_ =	shalt  }
0x49: {  	_ =	shalt  }
0x4a: {  	_ =	shalt  }
0x4b: {  	_ =	shalt  }
0x4c: {  	_ =	shalt  }
0x4d: {  	_ =	shalt  }
0x4e: {  	_ =	shalt  }
0x4f: {  	_ =	shalt  }
0x50: {  	_ =	shalt  }
0x51: {  	_ =	shalt  }
0x52: {  	_ =	shalt  }
0x53: {  	_ =	shalt  }
0x54: {  	_ =	shalt  }
0x55: {  	_ =	shalt  }
0x56: {  	_ =	shalt  }
0x57: {  	_ =	shalt  }
0x58: {  	_ =	shalt  }
0x59: {  	_ =	shalt  }
0x5a: {  	_ =	shalt  }
0x5b: {  	_ =	shalt  }
0x5c: {  	_ =	shalt  }
0x5d: {  	_ =	shalt  }
0x5e: {  	_ =	shalt  }
0x5f: {  	_ =	shalt  }
0x60: {  	_ =	shalt  }
0x61: {  	_ =	shalt  }
0x62: {  	_ =	shalt  }
0x63: {  	_ =	shalt  }
0x64: {  	_ =	shalt  }
0x65: {  	_ =	shalt  }
0x66: {  	_ =	shalt  }
0x67: {  	_ =	shalt  }
0x68: {  	_ =	shalt  }
0x69: {  	_ =	shalt  }
0x6a: {  	_ =	shalt  }
0x6b: {  	_ =	shalt  }
0x6c: {  	_ =	shalt  }
0x6d: {  	_ =	shalt  }
0x6e: {  	_ =	shalt  }
0x6f: {  	_ =	shalt  }
0x70: {  	_ =	shalt  }
0x71: {  	_ =	shalt  }
0x72: {  	_ =	shalt  }
0x73: {  	_ =	shalt  }
0x74: {  	_ =	shalt  }
0x75: {  	_ =	shalt  }
0x76: {  	_ =	shalt  }
0x77: {  	_ =	shalt  }
0x78: {  	_ =	shalt  }
0x79: {  	_ =	shalt  }
0x7a: {  	_ =	shalt  }
0x7b: {  	_ =	shalt  }
0x7c: {  	_ =	shalt  }
0x7d: {  	_ =	shalt  }
0x7e: {  	_ =	shalt  }
0x7f: {  	_ =	shalt  }
0x80: {  	_ =	shalt  }
0x81: {  	_ =	shalt  }
0x82: {  	_ =	shalt  }
0x83: {  	_ =	shalt  }
0x84: {  	_ =	shalt  }
0x85: {  	_ =	shalt  }
0x86: {  	_ =	shalt  }
0x87: {  	_ =	shalt  }
.Lfunc_end0:
.L_simem_size_0:
called_computation.1_lowered:
.L_overlay_start_0:
0x88: {  	s2 =	sld [smem:$0x3FD9]  }
0x89: {  	s3 =	sld [smem:$0x3FFE];
	_ =	sdelay $0x1  }
0x8a: {  	s1 =	srdreg.scid  }
0x8b: {  	s0 =	sand.u32 $0x1, s1  }
0x8c: {  	s17 =	sshll.u32 s0, $0xA;
	s2 =	sadd.s32 s3, s2  }
0x8d: {  	s2 =	sadd.s32 s2, s17  }
0x8e: {  	[smem:$0x3FC2] =	sst s2  }
0x8f: {  	_ = 	snop  }
0x90: {  	s2 =	sld [smem:$0x3FD0];
	(tm) =	ssettm $0x1  }
0x91: {  	s18 =	sld [smem:$0x3FFB];
	_ =	sdelay $0x3  }
0x92: {  	_ =	strace s18  }
0x93: {  	s3 =	sld [smem:$0x3FFC];
	_ =	sdelay $0x3  }
0x94: {  	_ =	strace s3  }
0x95: {  	s3 =	sld [smem:$0x3FFD];
	_ =	sdelay $0x3  }
0x96: {  	_ =	strace s3  }
0x97: {  	_ =	strace $0x8FFFFFFF  }
0x98: {  	s19 =	sld [smem:$0x3FDB];
	_ =	sdelay $0x1  }
0x99: {  	s4 =	simm.s32 $_scs_section_size  }
0x9a: {  	s5 =	simm.s32 $_size__tile_overlayer_lowered;
	s6 =	simm.s32 $_tile_overlayer_lowered  }
0x9b: {  	s22 =	simm.s32 $0x1BFF;
	s21 =	sshll.u32 s6, $0x1;
	s3 =	sadd.s32 s4, s19  }
0x9c: {  	s7 =	simm.s32 $0x0;
	s20 =	sshll.u32 s5, $0x1;
	s5 =	sadd.s32 s21, s3  }
0x9d: {  	[timem:s7], [sflag:s22] =	dma.local [hbm:s5], s20  }
0x9e: {  	_ =	swait.ge [sflag:s22], s20  }
0x9f: {  	s4 =	ssub.s32 $0x0, s20;
	[sflag:s22] =	ssyncset.done $0x0  }
0xa0: {  	[sflag:s22] =	ssyncadd.s32 s4;
	_ =	sdelay $0x1  }
0xa1: {  	s23 =	simm.s32 $0x1B8B  }
0xa2: {  	_ =	swait.ge [sflag:s23], $0x1  }
0xa3: {  	[sflag:s23] =	ssyncset.done $0x0  }
0xa4: {  	s25 =	simm.s32 $0x1B8E;
	s24 =	sld [smem:$0x3FFE];
	[sflag:s23] =	ssyncadd.s32 $0xFFFFFFFF  }
0xa5: {  	s26 =	simm.s32 $execute0_lowered;
	[smem:$0x3FD2] =	sst s25  }
0xa6: {  	s5 =	sshll.u32 s26, $0x1;
	_ =	strace $0x80000049;
	[dreg:$0x1] =	wrdreg $0xFFFFFFFF  }
0xa7: {  	s28 =	simm.s32 $_size_execute0_lowered;
	s3 =	sadd.s32 s3, s5;
	[dreg:$0x0] =	wrdreg $0x0  }
0xa8: {  	s5 =	sshll.u32 s28, $0x1;
	[dreg:$0x2] =	wrdreg s3  }
0xa9: {  	[dreg:$0x3] =	wrdreg s5  }
0xaa: {  	[dreg:$0x4] =	wrdreg $0xC0  }
0xab: {  	_ =	task [dreg:s7], $0x5FFFF  }
0xac: {  	[dreg:$0x1] =	wrdreg $0xFFFFFFFF  }
0xad: {  	[dreg:$0x0] =	wrdreg $0x60  }
0xae: {  	[dreg:$0x2] =	wrdreg s24  }
0xaf: {  	[dreg:$0x3] =	wrdreg s2  }
0xb0: {  	[dreg:$0x4] =	wrdreg $0xB0000  }
0xb1: {  	[dreg:$0x5] =	wrdreg $0x9  }
0xb2: {  	_ =	task.clear_ibuf [dreg:s7], $0x6FFFF;
	_ =	strace $0x90000049  }
0xb3: {  	s29 =	simm.s32 $0x9;
	_ =	strace $0x8000004B  }
0xb4: {  	_ =	swait.ge [sflag:s29], $0x1  }
0xb5: {  	[sflag:s29] =	ssyncadd.s32 $0xFFFFFFFF  }
0xb6: {  	_ =	strace $0x9000004B  }
0xb7: {  	_ =	sfence  }
0xb8: {  	s30 =	sld [smem:$0x0];
	_ =	sdelay $0x2  }
0xb9: {  	s31 =	sshll.u32 s1, $0xD;
	s1 =	sshrl.u32 s1, $0x2  }
0xba: {  	s3 =	sand.u32 $0x4000, s31;
	s1 =	sadd.s32 s1, s30  }
0xbb: {  	s0 =	sor.u32 s3, s0;
	s1 =	sshll.u32 s1, $0x11  }
0xbc: {  	s0 =	sor.u32 s1, s0  }
0xbd: {  	s0 =	sadd.s32 $0x8F2B, s0  }
0xbe: {  	[sflag:s0] =	ssyncadd.remote.s32 $0x1  }
0xbf: {  	_ =	sfence.sel $0xFFFF  }
0xc0: {  	[dreg:$0x0] =	wrdreg $0xFFFFFFFF;
	(pc) =	sbr.abs _section_cstart, $3  }
0xc1: {  	[dreg:$0x1] =	wrdreg $0xFFFFFFFF  }
0xc2: {  	_ =	task.clear_ibuf [dreg:s7], $0x2FFFF;
	_ =	strace $0x9FFFFFFF  }
0xc3: {  	(tm) =	ssettm $0x7FFFFFFF  }
tec
execute0_lowered:
.L_overlay_start_1:
0x0: {  	(tag) =	ssettag $0x1  }
0x1: {  	s6 =	rddreg [dreg:$0x0]  }
0x2: {  	s7 =	rddreg [dreg:$0x1];
	s0 =	srdreg.scid  }
0x3: {  	s2 =	rddreg [dreg:$0x2];
	s1 =	stileid.u32;
	s3 =	simm.s32 $0x0  }
0x4: {  	s15 =	simm.s32 $0x3000;
	s16 =	simm.s32 $0x80;
	s17 =	simm.s32 $0x1  }
0x5: {  	s18 =	simm.s32 $0x2F80;
	s19 =	simm.s32 $0x7000;
	s5 =	smul.u32 $0x13C00, s1  }
0x6: {  	s20 =	simm.s32 $0x0;
	s8 =	sand.u32 $0x1, s0;
	s28 =	smul.u32 $0x4F000, s1  }
0x7: {  	[smem:$0x7FF] =	sst s3;
	s11 =	sadd.s32 $0x2000, s6;
	s14 =	smul.u32 $0x2800, s1  }
0x8: {  	s30 =	sshll.u32 s1, $0x6;
	s4 =	smul.u32 $0x13C000, s8;
	_ =	strace $0x8000004A  }
0x9: {  	s10 =	ssub.s32 $0x2, s8;
	s12 =	sshll.u32 s8, $0x4;
	s8 =	smul.u32 $0x28000, s8  }
0xa: {  	s13 =	sshrl.u32 s10, $0x1;
	s12 =	sor.u32 s1, s12;
	s5 =	sadd.s32 s5, s4  }
0xb: {  	s4 =	sadd.s32 $0x22800, s6;
	s10 =	ssub.s32 s10, s13;
	s12 =	smul.u32 $0x2800, s12  }
0xc: {  	s8 =	sadd.s32 s14, s8;
	s13 =	simm.s32 $0x2;
	s9 =	sshrl.u32 s5, $0x3  }
0xd: {  	s5 =	sadd.s32 $0x20000, s6;
	s14 =	sor.u32 $0x80, s8;
	s10 =	smax.u32 s10, $0x1  }
0xe: {  	s9 =	sadd.s32 s9, s6;
	s6 =	sshrl.u32 s28, $0x2;
	s12 =	sshrl.u32 s12, $0x3  }
0xf: {  	s31 =	sshrl.u32 s14, $0x3;
	s14 =	simm.s32 $0x2800;
	s29 =	sadd.s32 s6, s2  }
0x10: {  	s6 =	sor.u32 $0x1C02, s30;
	s7 =	sadd.s32 s7, s12;
	s8 =	sadd.s32 s11, s12  }
0x11: {  	s9 =	sadd.s32 $0x49A00, s9;
	s11 =	sadd.s32 s31, s11;
	s12 =	sshrl.u32 s29, $0x3  }
.LBB2_1:
0x12: {  	[spmem:s12], [sflag:s6] =	dma.local [hbm:s5], $0x2780  }
0x13: {  	_ =	swait.ge [sflag:s13], $0x2780  }
0x14: {  	[sflag:s13] =	ssyncset.done $0x0  }
0x15: {  	[sflag:s13] =	ssyncadd.s32 $0xFFFFD880  }
0x16: {  	[tilespmem:s3], [sflag:$0x2] =	stream.linear.gather [hbm4b:s7+s3], $0x2800, $0x38;
	[tilespmem:$0x1EC00] =	vst v63  }
0x17: {  	_ =	swait.ge [sflag:s13], $0x2800  }
0x18: {  	[sflag:s13] =	ssyncset.done $0x0  }
0x19: {  	[sflag:s13] =	ssyncadd.s32 $0xFFFFD800  }
0x1a: {  	[tilespmem:s14], [sflag:$0x2] =	stream.linear.gather [hbm4b:s8+s3], $0x400, $0x38;
	[tilespmem:$0x1EC00] =	vst v63  }
0x1b: {  	_ =	swait.ge [sflag:s13], $0x400  }
0x1c: {  	s21 =	sand.u32 $0x7, s17;
	[sflag:s13] =	ssyncset.done $0x0  }
0x1d: {  	p0 =	sne.s32 s21, $0x0;
	[sflag:s13] =	ssyncadd.s32 $0xFFFFFC00  }
0x1e: {  	s21 =	sand.u32 @!p0 $0x400, s16;
	[bflag:$0x0] =	sbarrier.arrive $0xFFFF  }
0x1f: {  	[tilespmem:s15], [sflag:$0x1] =	stream.indirect.gather [hbm4b:s4+s16], $0x80, s3, s16, $0xb8;
	[tilespmem:$0x1EC00] =	vst v63  }
0x20: {  	s22 =	simm.s32 @!p0 $0x0;
	s25 =	simm.s32 @!p0 $0x2;
	s21 =	sor.u32 @!p0 $0x2800, s21  }
0x21: {  	[tilespmem:s21], [sflag:$0x2] =	stream.linear.gather @!p0 [hbm4b:s11+s22], $0x400, $0x38;
	[tilespmem:$0x1EC00] =	vst v63  }
0x22: {  	s23 =	simm.s32 $0x8000;
	s21 =	simm.s32 $0x4000;
	_ =	swait.ge @!p0 [sflag:s25], $0x400  }
0x23: {  	s30 =	simm.s32 $0x0;
	s26 =	sand.u32 $0x4000, s21;
	[sflag:s25] =	ssyncset.done @!p0 $0x0  }
0x24: {  	s28 =	sand.u32 $0x4000, s3;
	s29 =	sor.u32 $0x3000, s26;
	[sflag:s25] =	ssyncadd.s32 @!p0 $0xFFFFFC00  }
0x25: {  	[tilespmem:s29], [sflag:$0x1] =	stream.indirect.gather [hbm4b:s4+s16], $0x80, s16, s16, $0xb8;
	[tilespmem:$0x1EC00] =	vst v63  }
0x26: {  	s24 =	sand.u32 $0x4000, s23;
	s28 =	sor.u32 $0x3000, s28;
	_ =	swait.ge [sflag:s17], $0x4000  }
0x27: {  	s26 =	sand.u32 $0x780, s30;
	s25 =	simm.s32 $0x2;
	[sflag:s17] =	ssyncset.done $0x0  }
0x28: {  	s26 =	sor.u32 $0x2800, s26;
	s31 =	sand.u32 $0x7, s25;
	[sflag:s17] =	ssyncadd.s32 $0xFFFFC000  }
0x29: {  	[spmem:s2] =	stream.indirect.scatter.add.f32 [tilespmem:s28], [sflag:$0x2], $0x80, s26, s16, $0xb8;
	[tilespmem:$0x1EC00] =	vst v63  }
0x2a: {  	s22 =	simm.s32 $0x100;
	p0 =	sne.s32 s31, $0x0;
	_ =	swait.ge [sflag:s13], $0x4000  }
0x2b: {  	s28 =	sadd.s32 $0x10, s11;
	s26 =	simm.s32 $0x100;
	[sflag:s13] =	ssyncset.done $0x0  }
.LBB2_2:
0x2c: {  	s29 =	sand.u32 @!p0 $0x400, s26;
	[sflag:s13] =	ssyncadd.s32 $0xFFFFC000;
	s30 =	smov.u32 s21  }
0x2d: {  	s21 =	smov.u32 s23;
	s23 =	sadd.s32 $0x4000, s23;
	s31 =	smov.u32 s24  }
0x2e: {  	s0 =	simm.s32 @!p0 $0x2;
	s24 =	sor.u32 @!p0 $0x2800, s29;
	s29 =	simm.s32 @!p0 $0x0  }
0x2f: {  	[tilespmem:s24], [sflag:$0x2] =	stream.linear.gather @!p0 [hbm4b:s28+s29], $0x400, $0x38;
	[tilespmem:$0x1EC00] =	vst v63  }
0x30: {  	p1 =	sne.s32 s23, $0x13C000;
	s24 =	sand.u32 $0x4000, s23;
	_ =	swait.ge @!p0 [sflag:s0], $0x400  }
0x31: {  	s29 =	smov.u32 s22;
	s22 =	sadd.s32 $0x80, s22;
	[sflag:s0] =	ssyncset.done @!p0 $0x0  }
0x32: {  	s25 =	sadd.s32 $0x1, s25;
	[sflag:s0] =	ssyncadd.s32 @!p0 $0xFFFFFC00;
	s0 =	sor.u32 $0x3000, s31  }
0x33: {  	[tilespmem:s0], [sflag:$0x1] =	stream.indirect.gather [hbm4b:s4+s16], $0x80, s29, s16, $0xb8;
	[tilespmem:$0x1EC00] =	vst v63  }
0x34: {  	s0 =	sand.u32 $0x4000, s30;
	s29 =	sadd.s32 $0xFFFFFF80, s26;
	_ =	swait.ge [sflag:s17], $0x4000  }
.Ltmp0:
0x35: {  	s29 =	sand.u32 $0x780, s29;
	[sflag:s17] =	ssyncset.done $0x0;
	(pc) =	sbr.rel @p1 .LBB2_2-.Ltmp0, $4  }
0x36: {  	s0 =	sor.u32 $0x3000, s0;
	s29 =	sor.u32 $0x2800, s29;
	[sflag:s17] =	ssyncadd.s32 $0xFFFFC000  }
0x37: {  	[spmem:s2] =	stream.indirect.scatter.add.f32 [tilespmem:s0], [sflag:$0x2], $0x80, s29, s16, $0xb8;
	[tilespmem:$0x1EC00] =	vst v63  }
0x38: {  	s28 =	sadd.s32 $0x10, s28;
	s0 =	sand.u32 $0x7, s25;
	_ =	swait.ge [sflag:s13], $0x4000  }
0x39: {  	s26 =	sadd.s32 $0x80, s26;
	p0 =	sne.s32 s0, $0x0;
	[sflag:s13] =	ssyncset.done $0x0  }
0x3a: {  	s0 =	sand.u32 @!p0 $0x400, s26;
	[sflag:s13] =	ssyncadd.s32 $0xFFFFC000  }
0x3b: {  	s23 =	simm.s32 @!p0 $0x0;
	s25 =	simm.s32 @!p0 $0x2;
	s0 =	sor.u32 @!p0 $0x2800, s0  }
0x3c: {  	[tilespmem:s0], [sflag:$0x2] =	stream.linear.gather @!p0 [hbm4b:s28+s23], $0x400, $0x38;
	[tilespmem:$0x1EC00] =	vst v63  }
0x3d: {  	_ =	swait.ge @!p0 [sflag:s25], $0x400  }
0x3e: {  	[sflag:s25] =	ssyncset.done @!p0 $0x0  }
0x3f: {  	s30 =	sor.u32 $0x3000, s24;
	[sflag:s25] =	ssyncadd.s32 @!p0 $0xFFFFFC00  }
0x40: {  	[tilespmem:s30], [sflag:$0x1] =	stream.indirect.gather [hbm4b:s4+s16], $0x80, s22, s16, $0xb8;
	[tilespmem:$0x1EC00] =	vst v63  }
0x41: {  	s31 =	sadd.s32 $0xFFFFFF80, s26;
	_ =	swait.ge [sflag:s17], $0x4000  }
0x42: {  	s21 =	sand.u32 $0x4000, s21;
	s0 =	sand.u32 $0x780, s31;
	[sflag:s17] =	ssyncset.done $0x0  }
0x43: {  	s21 =	sor.u32 $0x3000, s21;
	s0 =	sor.u32 $0x2800, s0;
	[sflag:s17] =	ssyncadd.s32 $0xFFFFC000  }
0x44: {  	[spmem:s2] =	stream.indirect.scatter.add.f32 [tilespmem:s21], [sflag:$0x2], $0x80, s0, s16, $0xb8;
	[tilespmem:$0x1EC00] =	vst v63  }
0x45: {  	_ =	swait.ge [sflag:s13], $0x4000  }
0x46: {  	[sflag:s13] =	ssyncset.done $0x0  }
0x47: {  	[sflag:s13] =	ssyncadd.s32 $0xFFFFC000  }
0x48: {  	_ =	swait.ge [sflag:s17], $0x4000  }
0x49: {  	[sflag:s17] =	ssyncset.done $0x0  }
0x4a: {  	[sflag:s17] =	ssyncadd.s32 $0xFFFFC000  }
0x4b: {  	[spmem:s2] =	stream.indirect.scatter.add.f32 [tilespmem:s19], [sflag:$0x2], $0x80, s18, s16, $0xb8;
	[tilespmem:$0x1EC00] =	vst v63  }
0x4c: {  	_ =	swait.ge [sflag:s13], $0x4000  }
0x4d: {  	s20 =	sadd.s32 $0x1, s20;
	[sflag:s13] =	ssyncset.done $0x0  }
0x4e: {  	p0 =	sne.s32 s20, s10;
	[sflag:s13] =	ssyncadd.s32 $0xFFFFC000  }
.Ltmp1:
0x4f: {  	[bflag:$0x0] =	sbarrier.arrive $0xFFFF;
	(pc) =	sbr.rel @p0 .LBB2_1-.Ltmp1, $4  }
0x50: {  	[hbm:s9], [sflag:s6] =	dma.local [spmem:s12], $0x2780  }
0x51: {  	_ =	swait.ge [sflag:s13], $0x2780  }
0x52: {  	[sflag:s13] =	ssyncset.done $0x0  }
0x53: {  	[sflag:s13] =	ssyncadd.s32 $0xFFFFD880  }
0x54: {  	_ =	sfence.sel $0x180000  }
0x55: {  	[bflag:$0x0] =	sbarrier.arrive $0xFFFF  }
0x56: {  	_ =	strace $0x9000004A  }
0x57: {  	[bflag:$0x2] =	sbarrier.arrive $0xFFFF  }
0x58: {  	p0 =	sne.s32 s1, $0x0;
	s0 =	rddreg [dreg:$0x3]  }
0x59: {  	s0 =	sadd.s32 @!p0 $0x100000, s0  }
0x5a: {  	[sflag:s0] =	ssyncadd.tile.s32 @!p0 $0x1;
	_ =	shalt  }
.Lfunc_end2:
_tile_overlayer_lowered:
.L_overlay_start_2:
0x5b: {  	(tag) =	ssettag $0x2  }
0x5c: {  	s0 =	rddreg [dreg:$0x0];
	s2 =	stileid.u32  }
0x5d: {  	s1 =	rddreg [dreg:$0x1];
	p0 =	sne.s32 s2, $0x0  }
0x5e: {  	s3 =	rddreg [dreg:$0x2];
	[bflag:$0x3] =	sbarrier.arrive $0xFFFF;
	s2 =	simm.s32 @!p0 $0x1C02  }
0x5f: {  	[timem:s3], [sflag:s2] =	dma.local @!p0 [hbm:s0], s1  }
0x60: {  	s0 =	simm.s32 @!p0 $0x2  }
0x61: {  	_ =	swait.ge @!p0 [sflag:s0], s1  }
0x62: {  	s1 =	ssub.s32 @!p0 $0x0, s1;
	[sflag:s0] =	ssyncset.done @!p0 $0x0  }
0x63: {  	[sflag:s0] =	ssyncadd.s32 @!p0 s1  }
0x64: {  	[bflag:$0x3] =	sbarrier.arrive $0xFFFF  }
0x65: {  	_ =	shalt  }

// kernel: kernel.14.cloned.1.call-start
scs
__scs_entry_jumppad:
0x0: {  	(pc) =	sbr.rel $0x88, $3  }
0x1: {  	(tag) =	ssettag $0x0;
	lr =	simm.s32 $0x1  }
0x2: {  	[smem:$0x3F9B] =	sst lr;
	_ =	strace $0xD0000000  }
0x3: {  	_ = 	snop  }
0x4: {  	_ = 	snop  }
0x5: {  	_ = 	snop  }
0x6: {  	_ = 	snop  }
0x7: {  	_ = 	snop  }
__scs_overlays_trampoline_lowered:
0x8: {  	[smem:$0x3FAA] =	sst s0  }
0x9: {  	[smem:$0x3FAB] =	sst s1  }
0xa: {  	[smem:$0x3FAC] =	sst s2  }
0xb: {  	[smem:$0x3FAD] =	sst s3  }
0xc: {  	[smem:$0x3FAE] =	sst s4  }
0xd: {  	[smem:$0x3FAF] =	sst s5  }
0xe: {  	[smem:$0x3FB0] =	sst s6  }
0xf: {  	[smem:$0x3FB1] =	sst s7  }
0x10: {  	[smem:$0x3FB2] =	sst s8  }
0x11: {  	[smem:$0x3FB3] =	sst s9;
	s0 =	simm.s32 @!p0 $0x0  }
0x12: {  	s1 =	sld [smem:$0x3F99];
	s0 =	simm.s32 @p0 $0x1  }
0x13: {  	[smem:$0x3FB4] =	sst s0;
	s0 =	simm.s32 @!p1 $0x0  }
0x14: {  	s2 =	sld [smem:$0x3F98];
	s0 =	simm.s32 @p1 $0x1  }
0x15: {  	[smem:$0x3FB5] =	sst s0;
	s0 =	simm.s32 @!p2 $0x0  }
0x16: {  	s3 =	sld [smem:$0x3FDB];
	s0 =	simm.s32 @p2 $0x1  }
0x17: {  	s4 =	simm.s32 $0x1BF5;
	[smem:$0x3FB7] =	sst s0  }
0x18: {  	s0 =	sld [smem:$0x3F9A];
	_ =	swait.ge [sflag:s4], $0x0  }
0x19: {  	s7 =	sld [smem:$0x3F9B]  }
0x1a: {  	s8 =	sadd.s32 $0xFFFFE003, lr  }
0x1b: {  	s9 =	sadd.s32 $0xFFFFFEF7, lr;
	s5 =	simm.s32 $0xFFFFFFFF;
	p2 =	slt.u32 s8, $0xFFFFF086  }
0x1c: {  	p1 =	slt.u32 s9, $0xF7A;
	s5 =	simm.s32 @!p2 $0x0  }
0x1d: {  	s5 =	simm.s32 @p1 $0x1;
	p0 =	seq.s32 s7, s2  }
0x1e: {  	s7 =	smul.u32 @!p0 $0xF7A, s2;
	p2 =	seq.s32 @!p0 s5, $0x0  }
0x1f: {  	s9 =	smul.u32 $0xF7A, s1;
	s8 =	simm.s32 @!p0 $0x1BF5;
	p2 =	por !p2, p0  }
0x20: {  	[sflag:s8] =	ssyncset.s32 @!p0 $0xFFFFF086;
	s6 =	sadd.s32 @!p0 s3, s7;
	s7 =	simm.s32 @!p0 $0x108  }
0x21: {  	s3 =	sadd.s32 s3, s9;
	s6 =	sadd.s32 @!p0 $0x88, s6;
	s7 =	simm.s32 @p2 $0x1082  }
0x22: {  	[simem:s7], [sflag:s8] =	dma.local @!p0 [hbm:s6], $0xF7A  }
0x23: {  	s9 =	sor.u32 $0xD0000000, s2;
	s6 =	simm.s32 $0x108;
	_ =	swait.ge @!p0 [sflag:s8], $0x0  }
0x24: {  	s3 =	sadd.s32 $0x88, s3;
	s6 =	simm.s32 @!p1 $0x1082;
	[sflag:s4] =	ssyncset.s32 $0xFFFFF086  }
0x25: {  	[simem:s6], [sflag:s4] =	dma.local [hbm:s3], $0xF7A  }
0x26: {  	[smem:$0x3F9B] =	sst s1;
	(tag) =	ssettag s2;
	_ =	strace s9  }
0x27: {  	s1 =	sld [smem:$0x3FAB]  }
0x28: {  	s2 =	sld [smem:$0x3FAC]  }
0x29: {  	s4 =	sld [smem:$0x3FAE]  }
0x2a: {  	p0 =	seq.s32 s5, $0x0;
	s5 =	sld [smem:$0x3FAF]  }
0x2b: {  	s6 =	sld [smem:$0x3FB0]  }
0x2c: {  	s7 =	sld [smem:$0x3FB1]  }
0x2d: {  	s3 =	simm.s32 $0x108;
	s8 =	sld [smem:$0x3FB2]  }
0x2e: {  	s3 =	simm.s32 @!p0 $0x1082;
	s9 =	sld [smem:$0x3FB3]  }
0x2f: {  	lr =	sadd.s32 s0, s3;
	s0 =	sld [smem:$0x3FAA]  }
0x30: {  	s3 =	sld [smem:$0x3FAD]  }
0x31: {  	[smem:$0x3FB6] =	sst s10  }
0x32: {  	s10 =	sld [smem:$0x3FB4];
	_ =	sdelay $0x3  }
0x33: {  	p0 =	seq.s32 s10, $0x1;
	s10 =	sld [smem:$0x3FB6];
	_ =	sdelay $0x3  }
0x34: {  	[smem:$0x3FB6] =	sst s10  }
0x35: {  	s10 =	sld [smem:$0x3FB5];
	_ =	sdelay $0x3  }
0x36: {  	p1 =	seq.s32 s10, $0x1;
	s10 =	sld [smem:$0x3FB6];
	_ =	sdelay $0x3  }
0x37: {  	[smem:$0x3FB6] =	sst s10  }
0x38: {  	s10 =	sld [smem:$0x3FB7]  }
0x39: {  	_ = 	snop;
	(pc) =	sbr.ind lr, $3  }
0x3a: {  	_ = 	snop  }
0x3b: {  	_ = 	snop  }
0x3c: {  	p2 =	seq.s32 s10, $0x1;
	s10 =	sld [smem:$0x3FB6]  }
0x3d: {  	_ =	shalt  }
0x3e: {  	_ =	shalt  }
0x3f: {  	_ =	shalt  }
0x40: {  	_ =	shalt  }
0x41: {  	_ =	shalt  }
0x42: {  	_ =	shalt  }
0x43: {  	_ =	shalt  }
0x44: {  	_ =	shalt  }
0x45: {  	_ =	shalt  }
0x46: {  	_ =	shalt  }
0x47: {  	_ =	shalt  }
0x48: {  	_ =	shalt  }
0x49: {  	_ =	shalt  }
0x4a: {  	_ =	shalt  }
0x4b: {  	_ =	shalt  }
0x4c: {  	_ =	shalt  }
0x4d: {  	_ =	shalt  }
0x4e: {  	_ =	shalt  }
0x4f: {  	_ =	shalt  }
0x50: {  	_ =	shalt  }
0x51: {  	_ =	shalt  }
0x52: {  	_ =	shalt  }
0x53: {  	_ =	shalt  }
0x54: {  	_ =	shalt  }
0x55: {  	_ =	shalt  }
0x56: {  	_ =	shalt  }
0x57: {  	_ =	shalt  }
0x58: {  	_ =	shalt  }
0x59: {  	_ =	shalt  }
0x5a: {  	_ =	shalt  }
0x5b: {  	_ =	shalt  }
0x5c: {  	_ =	shalt  }
0x5d: {  	_ =	shalt  }
0x5e: {  	_ =	shalt  }
0x5f: {  	_ =	shalt  }
0x60: {  	_ =	shalt  }
0x61: {  	_ =	shalt  }
0x62: {  	_ =	shalt  }
0x63: {  	_ =	shalt  }
0x64: {  	_ =	shalt  }
0x65: {  	_ =	shalt  }
0x66: {  	_ =	shalt  }
0x67: {  	_ =	shalt  }
0x68: {  	_ =	shalt  }
0x69: {  	_ =	shalt  }
0x6a: {  	_ =	shalt  }
0x6b: {  	_ =	shalt  }
0x6c: {  	_ =	shalt  }
0x6d: {  	_ =	shalt  }
0x6e: {  	_ =	shalt  }
0x6f: {  	_ =	shalt  }
0x70: {  	_ =	shalt  }
0x71: {  	_ =	shalt  }
0x72: {  	_ =	shalt  }
0x73: {  	_ =	shalt  }
0x74: {  	_ =	shalt  }
0x75: {  	_ =	shalt  }
0x76: {  	_ =	shalt  }
0x77: {  	_ =	shalt  }
0x78: {  	_ =	shalt  }
0x79: {  	_ =	shalt  }
0x7a: {  	_ =	shalt  }
0x7b: {  	_ =	shalt  }
0x7c: {  	_ =	shalt  }
0x7d: {  	_ =	shalt  }
0x7e: {  	_ =	shalt  }
0x7f: {  	_ =	shalt  }
0x80: {  	_ =	shalt  }
0x81: {  	_ =	shalt  }
0x82: {  	_ =	shalt  }
0x83: {  	_ =	shalt  }
0x84: {  	_ =	shalt  }
0x85: {  	_ =	shalt  }
0x86: {  	_ =	shalt  }
0x87: {  	_ =	shalt  }
.Lfunc_end0:
.L_simem_size_0:
called_computation.2_lowered:
.L_overlay_start_0:
0x88: {  	s2 =	sld [smem:$0x3FD9]  }
0x89: {  	s3 =	sld [smem:$0x3FFE];
	_ =	sdelay $0x1  }
0x8a: {  	s1 =	srdreg.scid  }
0x8b: {  	s0 =	sand.u32 $0x1, s1  }
0x8c: {  	s17 =	sshll.u32 s0, $0xA;
	s2 =	sadd.s32 s3, s2  }
0x8d: {  	s2 =	sadd.s32 s2, s17  }
0x8e: {  	[smem:$0x3FC2] =	sst s2  }
0x8f: {  	_ = 	snop  }
0x90: {  	s2 =	sld [smem:$0x3FD0];
	(tm) =	ssettm $0x1  }
0x91: {  	s18 =	sld [smem:$0x3FFB];
	_ =	sdelay $0x3  }
0x92: {  	_ =	strace s18  }
0x93: {  	s3 =	sld [smem:$0x3FFC];
	_ =	sdelay $0x3  }
0x94: {  	_ =	strace s3  }
0x95: {  	s3 =	sld [smem:$0x3FFD];
	_ =	sdelay $0x3  }
0x96: {  	_ =	strace s3  }
0x97: {  	_ =	strace $0x8FFFFFFF  }
0x98: {  	s19 =	sld [smem:$0x3FDB];
	_ =	sdelay $0x1  }
0x99: {  	s4 =	simm.s32 $_scs_section_size  }
0x9a: {  	s5 =	simm.s32 $_size__tile_overlayer_lowered;
	s6 =	simm.s32 $_tile_overlayer_lowered  }
0x9b: {  	s22 =	simm.s32 $0x1BFF;
	s21 =	sshll.u32 s6, $0x1;
	s3 =	sadd.s32 s4, s19  }
0x9c: {  	s7 =	simm.s32 $0x0;
	s20 =	sshll.u32 s5, $0x1;
	s5 =	sadd.s32 s21, s3  }
0x9d: {  	[timem:s7], [sflag:s22] =	dma.local [hbm:s5], s20  }
0x9e: {  	_ =	swait.ge [sflag:s22], s20  }
0x9f: {  	s4 =	ssub.s32 $0x0, s20;
	[sflag:s22] =	ssyncset.done $0x0  }
0xa0: {  	[sflag:s22] =	ssyncadd.s32 s4;
	_ =	sdelay $0x1  }
0xa1: {  	s23 =	simm.s32 $0x1B8B  }
0xa2: {  	_ =	swait.ge [sflag:s23], $0x1  }
0xa3: {  	[sflag:s23] =	ssyncset.done $0x0  }
0xa4: {  	s25 =	simm.s32 $0x1B8E;
	s24 =	sld [smem:$0x3FFE];
	[sflag:s23] =	ssyncadd.s32 $0xFFFFFFFF  }
0xa5: {  	s26 =	simm.s32 $execute0_lowered;
	[smem:$0x3FD2] =	sst s25  }
0xa6: {  	s5 =	sshll.u32 s26, $0x1;
	_ =	strace $0x8000004C;
	[dreg:$0x1] =	wrdreg $0xFFFFFFFF  }
0xa7: {  	s28 =	simm.s32 $_size_execute0_lowered;
	s3 =	sadd.s32 s3, s5;
	[dreg:$0x0] =	wrdreg $0x0  }
0xa8: {  	s5 =	sshll.u32 s28, $0x1;
	[dreg:$0x2] =	wrdreg s3  }
0xa9: {  	[dreg:$0x3] =	wrdreg s5  }
0xaa: {  	[dreg:$0x4] =	wrdreg $0xC0  }
0xab: {  	_ =	task [dreg:s7], $0x5FFFF  }
0xac: {  	[dreg:$0x1] =	wrdreg $0xFFFFFFFF  }
0xad: {  	[dreg:$0x0] =	wrdreg $0x60  }
0xae: {  	[dreg:$0x2] =	wrdreg s24  }
0xaf: {  	[dreg:$0x3] =	wrdreg s2  }
0xb0: {  	[dreg:$0x4] =	wrdreg $0xB0000  }
0xb1: {  	[dreg:$0x5] =	wrdreg $0x9  }
0xb2: {  	_ =	task.clear_ibuf [dreg:s7], $0x6FFFF;
	_ =	strace $0x9000004C  }
0xb3: {  	s29 =	simm.s32 $0x9;
	_ =	strace $0x8000004E  }
0xb4: {  	_ =	swait.ge [sflag:s29], $0x1  }
0xb5: {  	[sflag:s29] =	ssyncadd.s32 $0xFFFFFFFF  }
0xb6: {  	_ =	strace $0x9000004E  }
0xb7: {  	_ =	sfence  }
0xb8: {  	s30 =	sld [smem:$0x0];
	_ =	sdelay $0x2  }
0xb9: {  	s31 =	sshll.u32 s1, $0xD;
	s1 =	sshrl.u32 s1, $0x2  }
0xba: {  	s3 =	sand.u32 $0x4000, s31;
	s1 =	sadd.s32 s1, s30  }
0xbb: {  	s0 =	sor.u32 s3, s0;
	s1 =	sshll.u32 s1, $0x11  }
0xbc: {  	s0 =	sor.u32 s1, s0  }
0xbd: {  	s0 =	sadd.s32 $0x8F2B, s0  }
0xbe: {  	[sflag:s0] =	ssyncadd.remote.s32 $0x1  }
0xbf: {  	_ =	sfence.sel $0xFFFF  }
0xc0: {  	[dreg:$0x0] =	wrdreg $0xFFFFFFFF;
	(pc) =	sbr.abs _section_cstart, $3  }
0xc1: {  	[dreg:$0x1] =	wrdreg $0xFFFFFFFF  }
0xc2: {  	_ =	task.clear_ibuf [dreg:s7], $0x2FFFF;
	_ =	strace $0x9FFFFFFF  }
0xc3: {  	(tm) =	ssettm $0x7FFFFFFF  }
tec
execute0_lowered:
.L_overlay_start_1:
0x0: {  	(tag) =	ssettag $0x1  }
0x1: {  	s6 =	rddreg [dreg:$0x0]  }
0x2: {  	s7 =	rddreg [dreg:$0x1];
	s0 =	srdreg.scid  }
0x3: {  	s2 =	rddreg [dreg:$0x2];
	s1 =	stileid.u32;
	s3 =	simm.s32 $0x0  }
0x4: {  	s15 =	simm.s32 $0x3000;
	s16 =	simm.s32 $0x80;
	s17 =	simm.s32 $0x1  }
0x5: {  	s18 =	simm.s32 $0x2F80;
	s19 =	simm.s32 $0x7000;
	s5 =	smul.u32 $0x13C00, s1  }
0x6: {  	s20 =	simm.s32 $0x0;
	s8 =	sand.u32 $0x1, s0;
	s28 =	smul.u32 $0x4F000, s1  }
0x7: {  	[smem:$0x7FF] =	sst s3;
	s11 =	sadd.s32 $0x2000, s6;
	s14 =	smul.u32 $0x2800, s1  }
0x8: {  	s30 =	sshll.u32 s1, $0x6;
	s4 =	smul.u32 $0x13C000, s8;
	_ =	strace $0x8000004D  }
0x9: {  	s10 =	ssub.s32 $0x2, s8;
	s12 =	sshll.u32 s8, $0x4;
	s8 =	smul.u32 $0x28000, s8  }
0xa: {  	s13 =	sshrl.u32 s10, $0x1;
	s12 =	sor.u32 s1, s12;
	s5 =	sadd.s32 s5, s4  }
0xb: {  	s4 =	sadd.s32 $0x22800, s6;
	s10 =	ssub.s32 s10, s13;
	s12 =	smul.u32 $0x2800, s12  }
0xc: {  	s8 =	sadd.s32 s14, s8;
	s13 =	simm.s32 $0x2;
	s9 =	sshrl.u32 s5, $0x3  }
0xd: {  	s5 =	sadd.s32 $0x20000, s6;
	s14 =	sor.u32 $0x80, s8;
	s10 =	smax.u32 s10, $0x1  }
0xe: {  	s9 =	sadd.s32 s9, s6;
	s6 =	sshrl.u32 s28, $0x2;
	s12 =	sshrl.u32 s12, $0x3  }
0xf: {  	s31 =	sshrl.u32 s14, $0x3;
	s14 =	simm.s32 $0x2800;
	s29 =	sadd.s32 s6, s2  }
0x10: {  	s6 =	sor.u32 $0x1C02, s30;
	s7 =	sadd.s32 s7, s12;
	s8 =	sadd.s32 s11, s12  }
0x11: {  	s9 =	sadd.s32 $0x49A00, s9;
	s11 =	sadd.s32 s31, s11;
	s12 =	sshrl.u32 s29, $0x3  }
.LBB2_1:
0x12: {  	[spmem:s12], [sflag:s6] =	dma.local [hbm:s5], $0x2780  }
0x13: {  	_ =	swait.ge [sflag:s13], $0x2780  }
0x14: {  	[sflag:s13] =	ssyncset.done $0x0  }
0x15: {  	[sflag:s13] =	ssyncadd.s32 $0xFFFFD880  }
0x16: {  	[tilespmem:s3], [sflag:$0x2] =	stream.linear.gather [hbm4b:s7+s3], $0x2800, $0x38;
	[tilespmem:$0x1EC00] =	vst v63  }
0x17: {  	_ =	swait.ge [sflag:s13], $0x2800  }
0x18: {  	[sflag:s13] =	ssyncset.done $0x0  }
0x19: {  	[sflag:s13] =	ssyncadd.s32 $0xFFFFD800  }
0x1a: {  	[tilespmem:s14], [sflag:$0x2] =	stream.linear.gather [hbm4b:s8+s3], $0x400, $0x38;
	[tilespmem:$0x1EC00] =	vst v63  }
0x1b: {  	_ =	swait.ge [sflag:s13], $0x400  }
0x1c: {  	s21 =	sand.u32 $0x7, s17;
	[sflag:s13] =	ssyncset.done $0x0  }
0x1d: {  	p0 =	sne.s32 s21, $0x0;
	[sflag:s13] =	ssyncadd.s32 $0xFFFFFC00  }
0x1e: {  	s21 =	sand.u32 @!p0 $0x400, s16;
	[bflag:$0x0] =	sbarrier.arrive $0xFFFF  }
0x1f: {  	[tilespmem:s15], [sflag:$0x1] =	stream.indirect.gather [hbm4b:s4+s16], $0x80, s3, s16, $0xb8;
	[tilespmem:$0x1EC00] =	vst v63  }
0x20: {  	s22 =	simm.s32 @!p0 $0x0;
	s25 =	simm.s32 @!p0 $0x2;
	s21 =	sor.u32 @!p0 $0x2800, s21  }
0x21: {  	[tilespmem:s21], [sflag:$0x2] =	stream.linear.gather @!p0 [hbm4b:s11+s22], $0x400, $0x38;
	[tilespmem:$0x1EC00] =	vst v63  }
0x22: {  	s23 =	simm.s32 $0x8000;
	s21 =	simm.s32 $0x4000;
	_ =	swait.ge @!p0 [sflag:s25], $0x400  }
0x23: {  	s30 =	simm.s32 $0x0;
	s26 =	sand.u32 $0x4000, s21;
	[sflag:s25] =	ssyncset.done @!p0 $0x0  }
0x24: {  	s28 =	sand.u32 $0x4000, s3;
	s29 =	sor.u32 $0x3000, s26;
	[sflag:s25] =	ssyncadd.s32 @!p0 $0xFFFFFC00  }
0x25: {  	[tilespmem:s29], [sflag:$0x1] =	stream.indirect.gather [hbm4b:s4+s16], $0x80, s16, s16, $0xb8;
	[tilespmem:$0x1EC00] =	vst v63  }
0x26: {  	s24 =	sand.u32 $0x4000, s23;
	s28 =	sor.u32 $0x3000, s28;
	_ =	swait.ge [sflag:s17], $0x4000  }
0x27: {  	s26 =	sand.u32 $0x780, s30;
	s25 =	simm.s32 $0x2;
	[sflag:s17] =	ssyncset.done $0x0  }
0x28: {  	s26 =	sor.u32 $0x2800, s26;
	s31 =	sand.u32 $0x7, s25;
	[sflag:s17] =	ssyncadd.s32 $0xFFFFC000  }
0x29: {  	[spmem:s2] =	stream.indirect.scatter.add.f32 [tilespmem:s28], [sflag:$0x2], $0x80, s26, s16, $0xb8;
	[tilespmem:$0x1EC00] =	vst v63  }
0x2a: {  	s22 =	simm.s32 $0x100;
	p0 =	sne.s32 s31, $0x0;
	_ =	swait.ge [sflag:s13], $0x4000  }
0x2b: {  	s28 =	sadd.s32 $0x10, s11;
	s26 =	simm.s32 $0x100;
	[sflag:s13] =	ssyncset.done $0x0  }
.LBB2_2:
0x2c: {  	s29 =	sand.u32 @!p0 $0x400, s26;
	[sflag:s13] =	ssyncadd.s32 $0xFFFFC000;
	s30 =	smov.u32 s21  }
0x2d: {  	s21 =	smov.u32 s23;
	s23 =	sadd.s32 $0x4000, s23;
	s31 =	smov.u32 s24  }
0x2e: {  	s0 =	simm.s32 @!p0 $0x2;
	s24 =	sor.u32 @!p0 $0x2800, s29;
	s29 =	simm.s32 @!p0 $0x0  }
0x2f: {  	[tilespmem:s24], [sflag:$0x2] =	stream.linear.gather @!p0 [hbm4b:s28+s29], $0x400, $0x38;
	[tilespmem:$0x1EC00] =	vst v63  }
0x30: {  	p1 =	sne.s32 s23, $0x13C000;
	s24 =	sand.u32 $0x4000, s23;
	_ =	swait.ge @!p0 [sflag:s0], $0x400  }
0x31: {  	s29 =	smov.u32 s22;
	s22 =	sadd.s32 $0x80, s22;
	[sflag:s0] =	ssyncset.done @!p0 $0x0  }
0x32: {  	s25 =	sadd.s32 $0x1, s25;
	[sflag:s0] =	ssyncadd.s32 @!p0 $0xFFFFFC00;
	s0 =	sor.u32 $0x3000, s31  }
0x33: {  	[tilespmem:s0], [sflag:$0x1] =	stream.indirect.gather [hbm4b:s4+s16], $0x80, s29, s16, $0xb8;
	[tilespmem:$0x1EC00] =	vst v63  }
0x34: {  	s0 =	sand.u32 $0x4000, s30;
	s29 =	sadd.s32 $0xFFFFFF80, s26;
	_ =	swait.ge [sflag:s17], $0x4000  }
.Ltmp0:
0x35: {  	s29 =	sand.u32 $0x780, s29;
	[sflag:s17] =	ssyncset.done $0x0;
	(pc) =	sbr.rel @p1 .LBB2_2-.Ltmp0, $4  }
0x36: {  	s0 =	sor.u32 $0x3000, s0;
	s29 =	sor.u32 $0x2800, s29;
	[sflag:s17] =	ssyncadd.s32 $0xFFFFC000  }
0x37: {  	[spmem:s2] =	stream.indirect.scatter.add.f32 [tilespmem:s0], [sflag:$0x2], $0x80, s29, s16, $0xb8;
	[tilespmem:$0x1EC00] =	vst v63  }
0x38: {  	s28 =	sadd.s32 $0x10, s28;
	s0 =	sand.u32 $0x7, s25;
	_ =	swait.ge [sflag:s13], $0x4000  }
0x39: {  	s26 =	sadd.s32 $0x80, s26;
	p0 =	sne.s32 s0, $0x0;
	[sflag:s13] =	ssyncset.done $0x0  }
0x3a: {  	s0 =	sand.u32 @!p0 $0x400, s26;
	[sflag:s13] =	ssyncadd.s32 $0xFFFFC000  }
0x3b: {  	s23 =	simm.s32 @!p0 $0x0;
	s25 =	simm.s32 @!p0 $0x2;
	s0 =	sor.u32 @!p0 $0x2800, s0  }
0x3c: {  	[tilespmem:s0], [sflag:$0x2] =	stream.linear.gather @!p0 [hbm4b:s28+s23], $0x400, $0x38;
	[tilespmem:$0x1EC00] =	vst v63  }
0x3d: {  	_ =	swait.ge @!p0 [sflag:s25], $0x400  }
0x3e: {  	[sflag:s25] =	ssyncset.done @!p0 $0x0  }
0x3f: {  	s30 =	sor.u32 $0x3000, s24;
	[sflag:s25] =	ssyncadd.s32 @!p0 $0xFFFFFC00  }
0x40: {  	[tilespmem:s30], [sflag:$0x1] =	stream.indirect.gather [hbm4b:s4+s16], $0x80, s22, s16, $0xb8;
	[tilespmem:$0x1EC00] =	vst v63  }
0x41: {  	s31 =	sadd.s32 $0xFFFFFF80, s26;
	_ =	swait.ge [sflag:s17], $0x4000  }
0x42: {  	s21 =	sand.u32 $0x4000, s21;
	s0 =	sand.u32 $0x780, s31;
	[sflag:s17] =	ssyncset.done $0x0  }
0x43: {  	s21 =	sor.u32 $0x3000, s21;
	s0 =	sor.u32 $0x2800, s0;
	[sflag:s17] =	ssyncadd.s32 $0xFFFFC000  }
0x44: {  	[spmem:s2] =	stream.indirect.scatter.add.f32 [tilespmem:s21], [sflag:$0x2], $0x80, s0, s16, $0xb8;
	[tilespmem:$0x1EC00] =	vst v63  }
0x45: {  	_ =	swait.ge [sflag:s13], $0x4000  }
0x46: {  	[sflag:s13] =	ssyncset.done $0x0  }
0x47: {  	[sflag:s13] =	ssyncadd.s32 $0xFFFFC000  }
0x48: {  	_ =	swait.ge [sflag:s17], $0x4000  }
0x49: {  	[sflag:s17] =	ssyncset.done $0x0  }
0x4a: {  	[sflag:s17] =	ssyncadd.s32 $0xFFFFC000  }
0x4b: {  	[spmem:s2] =	stream.indirect.scatter.add.f32 [tilespmem:s19], [sflag:$0x2], $0x80, s18, s16, $0xb8;
	[tilespmem:$0x1EC00] =	vst v63  }
0x4c: {  	_ =	swait.ge [sflag:s13], $0x4000  }
0x4d: {  	s20 =	sadd.s32 $0x1, s20;
	[sflag:s13] =	ssyncset.done $0x0  }
0x4e: {  	p0 =	sne.s32 s20, s10;
	[sflag:s13] =	ssyncadd.s32 $0xFFFFC000  }
.Ltmp1:
0x4f: {  	[bflag:$0x0] =	sbarrier.arrive $0xFFFF;
	(pc) =	sbr.rel @p0 .LBB2_1-.Ltmp1, $4  }
0x50: {  	[hbm:s9], [sflag:s6] =	dma.local [spmem:s12], $0x2780  }
0x51: {  	_ =	swait.ge [sflag:s13], $0x2780  }
0x52: {  	[sflag:s13] =	ssyncset.done $0x0  }
0x53: {  	[sflag:s13] =	ssyncadd.s32 $0xFFFFD880  }
0x54: {  	_ =	sfence.sel $0x180000  }
0x55: {  	[bflag:$0x0] =	sbarrier.arrive $0xFFFF  }
0x56: {  	_ =	strace $0x9000004D  }
0x57: {  	[bflag:$0x2] =	sbarrier.arrive $0xFFFF  }
0x58: {  	p0 =	sne.s32 s1, $0x0;
	s0 =	rddreg [dreg:$0x3]  }
0x59: {  	s0 =	sadd.s32 @!p0 $0x100000, s0  }
0x5a: {  	[sflag:s0] =	ssyncadd.tile.s32 @!p0 $0x1;
	_ =	shalt  }
.Lfunc_end2:
_tile_overlayer_lowered:
.L_overlay_start_2:
0x5b: {  	(tag) =	ssettag $0x2  }
0x5c: {  	s0 =	rddreg [dreg:$0x0];
	s2 =	stileid.u32  }
0x5d: {  	s1 =	rddreg [dreg:$0x1];
	p0 =	sne.s32 s2, $0x0  }
0x5e: {  	s3 =	rddreg [dreg:$0x2];
	[bflag:$0x3] =	sbarrier.arrive $0xFFFF;
	s2 =	simm.s32 @!p0 $0x1C02  }
0x5f: {  	[timem:s3], [sflag:s2] =	dma.local @!p0 [hbm:s0], s1  }
0x60: {  	s0 =	simm.s32 @!p0 $0x2  }
0x61: {  	_ =	swait.ge @!p0 [sflag:s0], s1  }
0x62: {  	s1 =	ssub.s32 @!p0 $0x0, s1;
	[sflag:s0] =	ssyncset.done @!p0 $0x0  }
0x63: {  	[sflag:s0] =	ssyncadd.s32 @!p0 s1  }
0x64: {  	[bflag:$0x3] =	sbarrier.arrive $0xFFFF  }
0x65: {  	_ =	shalt  }

// kernel: kernel.8.cloned.1.call-start
scs
__scs_entry_jumppad:
0x0: {  	(pc) =	sbr.rel $0x88, $3  }
0x1: {  	(tag) =	ssettag $0x0;
	lr =	simm.s32 $0x1  }
0x2: {  	[smem:$0x3F9B] =	sst lr;
	_ =	strace $0xD0000000  }
0x3: {  	_ = 	snop  }
0x4: {  	_ = 	snop  }
0x5: {  	_ = 	snop  }
0x6: {  	_ = 	snop  }
0x7: {  	_ = 	snop  }
__scs_overlays_trampoline_lowered:
0x8: {  	[smem:$0x3FAA] =	sst s0  }
0x9: {  	[smem:$0x3FAB] =	sst s1  }
0xa: {  	[smem:$0x3FAC] =	sst s2  }
0xb: {  	[smem:$0x3FAD] =	sst s3  }
0xc: {  	[smem:$0x3FAE] =	sst s4  }
0xd: {  	[smem:$0x3FAF] =	sst s5  }
0xe: {  	[smem:$0x3FB0] =	sst s6  }
0xf: {  	[smem:$0x3FB1] =	sst s7  }
0x10: {  	[smem:$0x3FB2] =	sst s8  }
0x11: {  	[smem:$0x3FB3] =	sst s9;
	s0 =	simm.s32 @!p0 $0x0  }
0x12: {  	s1 =	sld [smem:$0x3F99];
	s0 =	simm.s32 @p0 $0x1  }
0x13: {  	[smem:$0x3FB4] =	sst s0;
	s0 =	simm.s32 @!p1 $0x0  }
0x14: {  	s2 =	sld [smem:$0x3F98];
	s0 =	simm.s32 @p1 $0x1  }
0x15: {  	[smem:$0x3FB5] =	sst s0;
	s0 =	simm.s32 @!p2 $0x0  }
0x16: {  	s3 =	sld [smem:$0x3FDB];
	s0 =	simm.s32 @p2 $0x1  }
0x17: {  	s4 =	simm.s32 $0x1BF5;
	[smem:$0x3FB7] =	sst s0  }
0x18: {  	s0 =	sld [smem:$0x3F9A];
	_ =	swait.ge [sflag:s4], $0x0  }
0x19: {  	s7 =	sld [smem:$0x3F9B]  }
0x1a: {  	s8 =	sadd.s32 $0xFFFFE003, lr  }
0x1b: {  	s9 =	sadd.s32 $0xFFFFFEF7, lr;
	s5 =	simm.s32 $0xFFFFFFFF;
	p2 =	slt.u32 s8, $0xFFFFF086  }
0x1c: {  	p1 =	slt.u32 s9, $0xF7A;
	s5 =	simm.s32 @!p2 $0x0  }
0x1d: {  	s5 =	simm.s32 @p1 $0x1;
	p0 =	seq.s32 s7, s2  }
0x1e: {  	s7 =	smul.u32 @!p0 $0xF7A, s2;
	p2 =	seq.s32 @!p0 s5, $0x0  }
0x1f: {  	s9 =	smul.u32 $0xF7A, s1;
	s8 =	simm.s32 @!p0 $0x1BF5;
	p2 =	por !p2, p0  }
0x20: {  	[sflag:s8] =	ssyncset.s32 @!p0 $0xFFFFF086;
	s6 =	sadd.s32 @!p0 s3, s7;
	s7 =	simm.s32 @!p0 $0x108  }
0x21: {  	s3 =	sadd.s32 s3, s9;
	s6 =	sadd.s32 @!p0 $0x88, s6;
	s7 =	simm.s32 @p2 $0x1082  }
0x22: {  	[simem:s7], [sflag:s8] =	dma.local @!p0 [hbm:s6], $0xF7A  }
0x23: {  	s9 =	sor.u32 $0xD0000000, s2;
	s6 =	simm.s32 $0x108;
	_ =	swait.ge @!p0 [sflag:s8], $0x0  }
0x24: {  	s3 =	sadd.s32 $0x88, s3;
	s6 =	simm.s32 @!p1 $0x1082;
	[sflag:s4] =	ssyncset.s32 $0xFFFFF086  }
0x25: {  	[simem:s6], [sflag:s4] =	dma.local [hbm:s3], $0xF7A  }
0x26: {  	[smem:$0x3F9B] =	sst s1;
	(tag) =	ssettag s2;
	_ =	strace s9  }
0x27: {  	s1 =	sld [smem:$0x3FAB]  }
0x28: {  	s2 =	sld [smem:$0x3FAC]  }
0x29: {  	s4 =	sld [smem:$0x3FAE]  }
0x2a: {  	p0 =	seq.s32 s5, $0x0;
	s5 =	sld [smem:$0x3FAF]  }
0x2b: {  	s6 =	sld [smem:$0x3FB0]  }
0x2c: {  	s7 =	sld [smem:$0x3FB1]  }
0x2d: {  	s3 =	simm.s32 $0x108;
	s8 =	sld [smem:$0x3FB2]  }
0x2e: {  	s3 =	simm.s32 @!p0 $0x1082;
	s9 =	sld [smem:$0x3FB3]  }
0x2f: {  	lr =	sadd.s32 s0, s3;
	s0 =	sld [smem:$0x3FAA]  }
0x30: {  	s3 =	sld [smem:$0x3FAD]  }
0x31: {  	[smem:$0x3FB6] =	sst s10  }
0x32: {  	s10 =	sld [smem:$0x3FB4];
	_ =	sdelay $0x3  }
0x33: {  	p0 =	seq.s32 s10, $0x1;
	s10 =	sld [smem:$0x3FB6];
	_ =	sdelay $0x3  }
0x34: {  	[smem:$0x3FB6] =	sst s10  }
0x35: {  	s10 =	sld [smem:$0x3FB5];
	_ =	sdelay $0x3  }
0x36: {  	p1 =	seq.s32 s10, $0x1;
	s10 =	sld [smem:$0x3FB6];
	_ =	sdelay $0x3  }
0x37: {  	[smem:$0x3FB6] =	sst s10  }
0x38: {  	s10 =	sld [smem:$0x3FB7]  }
0x39: {  	_ = 	snop;
	(pc) =	sbr.ind lr, $3  }
0x3a: {  	_ = 	snop  }
0x3b: {  	_ = 	snop  }
0x3c: {  	p2 =	seq.s32 s10, $0x1;
	s10 =	sld [smem:$0x3FB6]  }
0x3d: {  	_ =	shalt  }
0x3e: {  	_ =	shalt  }
0x3f: {  	_ =	shalt  }
0x40: {  	_ =	shalt  }
0x41: {  	_ =	shalt  }
0x42: {  	_ =	shalt  }
0x43: {  	_ =	shalt  }
0x44: {  	_ =	shalt  }
0x45: {  	_ =	shalt  }
0x46: {  	_ =	shalt  }
0x47: {  	_ =	shalt  }
0x48: {  	_ =	shalt  }
0x49: {  	_ =	shalt  }
0x4a: {  	_ =	shalt  }
0x4b: {  	_ =	shalt  }
0x4c: {  	_ =	shalt  }
0x4d: {  	_ =	shalt  }
0x4e: {  	_ =	shalt  }
0x4f: {  	_ =	shalt  }
0x50: {  	_ =	shalt  }
0x51: {  	_ =	shalt  }
0x52: {  	_ =	shalt  }
0x53: {  	_ =	shalt  }
0x54: {  	_ =	shalt  }
0x55: {  	_ =	shalt  }
0x56: {  	_ =	shalt  }
0x57: {  	_ =	shalt  }
0x58: {  	_ =	shalt  }
0x59: {  	_ =	shalt  }
0x5a: {  	_ =	shalt  }
0x5b: {  	_ =	shalt  }
0x5c: {  	_ =	shalt  }
0x5d: {  	_ =	shalt  }
0x5e: {  	_ =	shalt  }
0x5f: {  	_ =	shalt  }
0x60: {  	_ =	shalt  }
0x61: {  	_ =	shalt  }
0x62: {  	_ =	shalt  }
0x63: {  	_ =	shalt  }
0x64: {  	_ =	shalt  }
0x65: {  	_ =	shalt  }
0x66: {  	_ =	shalt  }
0x67: {  	_ =	shalt  }
0x68: {  	_ =	shalt  }
0x69: {  	_ =	shalt  }
0x6a: {  	_ =	shalt  }
0x6b: {  	_ =	shalt  }
0x6c: {  	_ =	shalt  }
0x6d: {  	_ =	shalt  }
0x6e: {  	_ =	shalt  }
0x6f: {  	_ =	shalt  }
0x70: {  	_ =	shalt  }
0x71: {  	_ =	shalt  }
0x72: {  	_ =	shalt  }
0x73: {  	_ =	shalt  }
0x74: {  	_ =	shalt  }
0x75: {  	_ =	shalt  }
0x76: {  	_ =	shalt  }
0x77: {  	_ =	shalt  }
0x78: {  	_ =	shalt  }
0x79: {  	_ =	shalt  }
0x7a: {  	_ =	shalt  }
0x7b: {  	_ =	shalt  }
0x7c: {  	_ =	shalt  }
0x7d: {  	_ =	shalt  }
0x7e: {  	_ =	shalt  }
0x7f: {  	_ =	shalt  }
0x80: {  	_ =	shalt  }
0x81: {  	_ =	shalt  }
0x82: {  	_ =	shalt  }
0x83: {  	_ =	shalt  }
0x84: {  	_ =	shalt  }
0x85: {  	_ =	shalt  }
0x86: {  	_ =	shalt  }
0x87: {  	_ =	shalt  }
.Lfunc_end0:
.L_simem_size_0:
called_computation_lowered:
.L_overlay_start_0:
0x88: {  	s2 =	sld [smem:$0x3FD9]  }
0x89: {  	s3 =	sld [smem:$0x3FFE];
	_ =	sdelay $0x1  }
0x8a: {  	s1 =	srdreg.scid  }
0x8b: {  	s0 =	sand.u32 $0x1, s1  }
0x8c: {  	s16 =	sshll.u32 s0, $0xA;
	s2 =	sadd.s32 s3, s2  }
0x8d: {  	s2 =	sadd.s32 s2, s16  }
0x8e: {  	[smem:$0x3FC2] =	sst s2  }
0x8f: {  	_ = 	snop  }
0x90: {  	(tm) =	ssettm $0x1  }
0x91: {  	s17 =	sld [smem:$0x3FFB];
	_ =	sdelay $0x3  }
0x92: {  	_ =	strace s17  }
0x93: {  	s2 =	sld [smem:$0x3FFC];
	_ =	sdelay $0x3  }
0x94: {  	_ =	strace s2  }
0x95: {  	s2 =	sld [smem:$0x3FFD];
	_ =	sdelay $0x3  }
0x96: {  	_ =	strace s2  }
0x97: {  	_ =	strace $0x8FFFFFFF  }
0x98: {  	s18 =	sld [smem:$0x3FDB];
	_ =	sdelay $0x1  }
0x99: {  	s19 =	simm.s32 $_scs_section_size  }
0x9a: {  	s4 =	simm.s32 $_size__tile_overlayer_lowered;
	s5 =	simm.s32 $_tile_overlayer_lowered  }
0x9b: {  	s22 =	simm.s32 $0x1BFF;
	s21 =	sshll.u32 s5, $0x1;
	s2 =	sadd.s32 s19, s18  }
0x9c: {  	s6 =	simm.s32 $0x0;
	s20 =	sshll.u32 s4, $0x1;
	s4 =	sadd.s32 s21, s2  }
0x9d: {  	[timem:s6], [sflag:s22] =	dma.local [hbm:s4], s20  }
0x9e: {  	_ =	swait.ge [sflag:s22], s20  }
0x9f: {  	s3 =	ssub.s32 $0x0, s20;
	[sflag:s22] =	ssyncset.done $0x0  }
0xa0: {  	[sflag:s22] =	ssyncadd.s32 s3;
	_ =	sdelay $0x1  }
0xa1: {  	s23 =	simm.s32 $0x1B8B  }
0xa2: {  	_ =	swait.ge [sflag:s23], $0x1  }
0xa3: {  	[sflag:s23] =	ssyncset.done $0x0  }
0xa4: {  	s25 =	simm.s32 $0x1B8E;
	s24 =	sld [smem:$0x3FFE];
	[sflag:s23] =	ssyncadd.s32 $0xFFFFFFFF  }
0xa5: {  	s26 =	simm.s32 $execute0_lowered;
	[smem:$0x3FD2] =	sst s25  }
0xa6: {  	s4 =	sshll.u32 s26, $0x1;
	_ =	strace $0x80000046;
	[dreg:$0x1] =	wrdreg $0xFFFFFFFF  }
0xa7: {  	s28 =	simm.s32 $_size_execute0_lowered;
	s2 =	sadd.s32 s2, s4;
	[dreg:$0x0] =	wrdreg $0x0  }
0xa8: {  	s4 =	sshll.u32 s28, $0x1;
	[dreg:$0x2] =	wrdreg s2  }
0xa9: {  	[dreg:$0x3] =	wrdreg s4  }
0xaa: {  	[dreg:$0x4] =	wrdreg $0xC0  }
0xab: {  	_ =	task [dreg:s6], $0x5FFFF  }
0xac: {  	[dreg:$0x1] =	wrdreg $0xFFFFFFFF  }
0xad: {  	[dreg:$0x0] =	wrdreg $0x60  }
0xae: {  	[dreg:$0x2] =	wrdreg s24  }
0xaf: {  	[dreg:$0x3] =	wrdreg $0x90000  }
0xb0: {  	[dreg:$0x4] =	wrdreg $0x9  }
0xb1: {  	_ =	task.clear_ibuf [dreg:s6], $0x5FFFF;
	_ =	strace $0x90000046  }
0xb2: {  	s29 =	simm.s32 $0x9;
	_ =	strace $0x80000048  }
0xb3: {  	_ =	swait.ge [sflag:s29], $0x1  }
0xb4: {  	[sflag:s29] =	ssyncadd.s32 $0xFFFFFFFF  }
0xb5: {  	_ =	strace $0x90000048  }
0xb6: {  	_ =	sfence  }
0xb7: {  	s30 =	sld [smem:$0x0];
	_ =	sdelay $0x2  }
0xb8: {  	s31 =	sshll.u32 s1, $0xD;
	s1 =	sshrl.u32 s1, $0x2  }
0xb9: {  	s3 =	sand.u32 $0x4000, s31;
	s1 =	sadd.s32 s1, s30  }
0xba: {  	s0 =	sor.u32 s3, s0;
	s1 =	sshll.u32 s1, $0x11  }
0xbb: {  	s0 =	sor.u32 s1, s0  }
0xbc: {  	s0 =	sadd.s32 $0x8F2B, s0  }
0xbd: {  	[sflag:s0] =	ssyncadd.remote.s32 $0x1  }
0xbe: {  	_ =	sfence.sel $0xFFFF  }
0xbf: {  	[dreg:$0x0] =	wrdreg $0xFFFFFFFF;
	(pc) =	sbr.abs _section_cstart, $3  }
0xc0: {  	[dreg:$0x1] =	wrdreg $0xFFFFFFFF  }
0xc1: {  	_ =	task.clear_ibuf [dreg:s6], $0x2FFFF;
	_ =	strace $0x9FFFFFFF  }
0xc2: {  	(tm) =	ssettm $0x7FFFFFFF  }
0xc3: {  	_ =	shalt  }
tec
execute0_lowered:
.L_overlay_start_1:
0x0: {  	(tag) =	ssettag $0x1  }
0x1: {  	s6 =	rddreg [dreg:$0x0]  }
0x2: {  	s0 =	srdreg.scid;
	s2 =	rddreg [dreg:$0x1]  }
0x3: {  	s1 =	rddreg [dreg:$0x2];
	s7 =	sand.u32 $0x1, s0  }
0x4: {  	s0 =	stileid.u32;
	s4 =	smul.u32 $0x50000, s7  }
0x5: {  	s3 =	simm.s32 $0x0;
	s12 =	simm.s32 $0x5000;
	s5 =	smul.u32 $0x5000, s0  }
0x6: {  	s13 =	simm.s32 $0x80;
	[smem:$0x7FF] =	sst s3;
	s29 =	smul.u32 $0x13C000, s7  }
0x7: {  	s14 =	simm.s32 $0x0;
	s8 =	smul.u32 $0x13C00, s0;
	_ =	strace $0x80000047  }
0x8: {  	s10 =	smul.u32 $0x4F000, s0;
	s7 =	ssub.s32 $0x2, s7;
	s31 =	sshll.u32 s0, $0x6  }
0x9: {  	s30 =	sshrl.u32 s7, $0x1;
	s4 =	sadd.s32 s5, s4;
	s8 =	sadd.s32 s8, s29  }
0xa: {  	s5 =	sadd.s32 $0x20000, s6;
	s10 =	sshrl.u32 s10, $0x2;
	s11 =	ssub.s32 s7, s30  }
0xb: {  	s4 =	sshrl.u32 s4, $0x3;
	s8 =	sshrl.u32 s8, $0x3;
	s10 =	sadd.s32 s10, s2  }
0xc: {  	s9 =	sadd.s32 s4, s6;
	s4 =	sadd.s32 $0x22800, s6;
	s8 =	sadd.s32 s8, s6  }
0xd: {  	s6 =	sor.u32 $0x1C01, s31;
	s10 =	sshrl.u32 s10, $0x3;
	s7 =	sadd.s32 $0xC000, s9  }
0xe: {  	s8 =	sadd.s32 $0x23000, s8;
	s9 =	smax.u32 s11, $0x1;
	s11 =	simm.s32 $0x1  }
.LBB2_1:
0xf: {  	[spmem:s10], [sflag:s6] =	dma.local [hbm:s5], $0x2780  }
0x10: {  	_ =	swait.ge [sflag:s11], $0x2780  }
0x11: {  	[sflag:s11] =	ssyncset.done $0x0  }
0x12: {  	[sflag:s11] =	ssyncadd.s32 $0xFFFFD880  }
0x13: {  	[tilespmem:s12], [sflag:$0x1] =	stream.linear.gather [hbm4b:s4+s3], $0x4000, $0x38;
	[tilespmem:$0x1CC00] =	vst v63  }
0x14: {  	_ =	swait.ge [sflag:s11], $0x4000  }
0x15: {  	[sflag:s11] =	ssyncset.done $0x0  }
0x16: {  	[sflag:s11] =	ssyncadd.s32 $0xFFFFC000  }
0x17: {  	[tilespmem:s3], [sflag:$0x1] =	stream.linear.gather [hbm4b:s7+s3], $0x5000, $0x38;
	[tilespmem:$0x1CC00] =	vst v63  }
0x18: {  	_ =	swait.ge [sflag:s11], $0x5000  }
0x19: {  	[sflag:s11] =	ssyncset.done $0x0  }
0x1a: {  	[sflag:s11] =	ssyncadd.s32 $0xFFFFB000  }
0x1b: {  	s15 =	simm.s32 $0x0;
	[bflag:$0x0] =	sbarrier.arrive $0xFFFF  }
0x1c: {  	[spmem:s2] =	stream.indirect.scatter.add.f32 [tilespmem:s12], [sflag:$0x1], $0x80, s15, s13, $0xb8;
	[tilespmem:$0x1CC00] =	vst v63  }
0x1d: {  	_ =	swait.ge [sflag:s11], $0x4000  }
0x1e: {  	s15 =	simm.s32 $0x200;
	[sflag:s11] =	ssyncset.done $0x0  }
.LBB2_2:
0x1f: {  	s16 =	sshra.s32 s15, $0x2;
	[sflag:s11] =	ssyncadd.s32 $0xFFFFC000;
	p0 =	sne.s32 s15, $0x13E00  }
0x20: {  	[spmem:s2] =	stream.indirect.scatter.add.f32 [tilespmem:s12], [sflag:$0x1], $0x80, s16, s13, $0xb8;
	[tilespmem:$0x1CC00] =	vst v63  }
.Ltmp0:
0x21: {  	_ = 	snop;
	(pc) =	sbr.rel @p0 .LBB2_2-.Ltmp0, $4  }
0x22: {  	_ = 	snop  }
0x23: {  	s15 =	sadd.s32 $0x200, s15  }
0x24: {  	_ =	swait.ge [sflag:s11], $0x4000  }
0x25: {  	[sflag:s11] =	ssyncset.done $0x0  }
0x26: {  	s14 =	sadd.s32 $0x1, s14  }
0x27: {  	[sflag:s11] =	ssyncadd.s32 $0xFFFFC000;
	p0 =	sne.s32 s14, s9  }
.Ltmp1:
0x28: {  	[bflag:$0x0] =	sbarrier.arrive $0xFFFF;
	(pc) =	sbr.rel @p0 .LBB2_1-.Ltmp1, $4  }
0x29: {  	[hbm:s8], [sflag:s6] =	dma.local [spmem:s10], $0x2780  }
0x2a: {  	_ =	swait.ge [sflag:s11], $0x2780  }
0x2b: {  	[sflag:s11] =	ssyncset.done $0x0  }
0x2c: {  	[sflag:s11] =	ssyncadd.s32 $0xFFFFD880  }
0x2d: {  	_ =	sfence.sel $0x180000  }
0x2e: {  	[bflag:$0x0] =	sbarrier.arrive $0xFFFF  }
0x2f: {  	p0 =	sne.s32 s0, $0x0;
	_ =	strace $0x90000047  }
0x30: {  	s0 =	sadd.s32 @!p0 $0x100000, s1;
	[bflag:$0x2] =	sbarrier.arrive $0xFFFF  }
0x31: {  	[sflag:s0] =	ssyncadd.tile.s32 @!p0 $0x1;
	_ =	shalt  }
.Lfunc_end2:
_tile_overlayer_lowered:
.L_overlay_start_2:
0x32: {  	(tag) =	ssettag $0x2  }
0x33: {  	s0 =	rddreg [dreg:$0x0];
	s2 =	stileid.u32  }
0x34: {  	s1 =	rddreg [dreg:$0x1];
	p0 =	sne.s32 s2, $0x0  }
0x35: {  	s3 =	rddreg [dreg:$0x2];
	[bflag:$0x3] =	sbarrier.arrive $0xFFFF;
	s2 =	simm.s32 @!p0 $0x1C01  }
0x36: {  	[timem:s3], [sflag:s2] =	dma.local @!p0 [hbm:s0], s1  }
0x37: {  	s0 =	simm.s32 @!p0 $0x1  }
0x38: {  	_ =	swait.ge @!p0 [sflag:s0], s1  }
0x39: {  	s1 =	ssub.s32 @!p0 $0x0, s1;
	[sflag:s0] =	ssyncset.done @!p0 $0x0  }
0x3a: {  	[sflag:s0] =	ssyncadd.s32 @!p0 s1  }
0x3b: {  	[bflag:$0x3] =	sbarrier.arrive $0xFFFF  }
0x3c: {  	_ =	shalt  }

</sc_bundles>
